<compile_context>
chip_gen: v7x
topology: tpu7x:2x2x1
jax: 0.10.2.dev20260603
libtpu: 0.0.44.dev20260713+nightly
codegen_flags: <defaults>
</compile_context>

<pallas_src>
import functools

import jax
import jax.numpy as jnp
from jax import lax
from jax.experimental import pallas as pl
from jax.experimental.pallas import tpu as pltpu
from jax.experimental.pallas import tpu_sc as plsc

_LANES = 128
_GRP = 16


@functools.lru_cache(maxsize=None)
def _build(B, V, D):
    info = plsc.get_sparse_core_info()
    NC, NS = info.num_cores, info.num_subcores
    NW = NC * NS
    bpw = B // NW

    mesh = plsc.VectorSubcoreMesh(core_axis_name="c", subcore_axis_name="s")

    @functools.partial(
        pl.kernel,
        mesh=mesh,
        out_type=jax.ShapeDtypeStruct((D, B), jnp.float32),
        compiler_params=pltpu.CompilerParams(needs_layout_passes=False),
        scratch_types=[
            pltpu.VMEM((bpw,), jnp.int32),
            pltpu.VMEM((_GRP, D, _LANES), jnp.float32),
            pltpu.VMEM((D, bpw), jnp.float32),
            pltpu.SemaphoreType.DMA,
        ],
    )
    def gather_kernel(table_hbm, idx_hbm, out_hbm, idx_v, win_v, vals_v, sem):
        wid = lax.axis_index("s") * NC + lax.axis_index("c")
        base = wid * bpw
        pltpu.sync_copy(idx_hbm.at[pl.ds(base, bpw)], idx_v)

        iota16 = lax.iota(jnp.int32, 16)
        zeros16 = iota16 * 0
        rows = [iota16 + 16 * g for g in range(D // 16)]

        def wait_one():
            pltpu.make_async_copy(
                table_hbm.at[:, pl.ds(0, _LANES)],
                win_v.at[0],
                sem,
            ).wait()

        @pl.loop(0, bpw // _GRP)
        def _(g):
            j0 = g * _GRP
            vec = idx_v[pl.ds(j0, _GRP)]
            cols = [vec[k] for k in range(_GRP)]
            for k in range(_GRP):
                w = lax.shift_right_logical(cols[k], 7)
                pltpu.async_copy(
                    table_hbm.at[:, pl.ds(w * _LANES, _LANES)],
                    win_v.at[k],
                    sem,
                )
            for k in range(_GRP):
                wait_one()
            for k in range(_GRP):
                lane = zeros16 + (cols[k] & (_LANES - 1))
                col_j = zeros16 + (j0 + k)
                for r in rows:
                    vals = plsc.load_gather(win_v.at[k], [r, lane])
                    plsc.store_scatter(vals_v, [r, col_j], vals)

        pltpu.sync_copy(vals_v, out_hbm.at[:, pl.ds(base, bpw)])

    return gather_kernel


def kernel(x, style_shift_weight):
    B, = x.shape
    V, D = style_shift_weight.shape
    gather_kernel = _build(B, V, D)
    idx = x.astype(jnp.int32)
    out_t = gather_kernel(style_shift_weight.T, idx)
    return out_t.T

# --- scband reference (transcript-rebuilt; emitter-appended) ---
"""Pipeline reference for scband-encoder-30322469110417 (READ-ONLY COPY).

The authoritative reference and input builder live on the scoring server;
editing this copy changes nothing except your own understanding.
"""

import jax, jax.numpy as jnp
import numpy as np

NUM_CLASSES = 1000000
Z_DIM = 32
BATCH = 16384

def setup_inputs(seed: int = 0) -> dict:
    key = jax.random.key(seed)
    k_idx, k_tab = jax.random.split(key)
    x = jax.random.randint(k_idx, (BATCH,), 0, NUM_CLASSES, dtype=jnp.int64 if jax.config.jax_enable_x64 else jnp.int32)
    # Embedding table initialized like torch.nn.Embedding: N(0, 1)
    style_shift_weight = jax.random.normal(k_tab, (NUM_CLASSES, Z_DIM), dtype=jnp.float32)
    return {"x": x, "style_shift_weight": style_shift_weight}

def reference(x, style_shift_weight):
    # Encoder.forward: self.style_shift(x) -> embedding lookup
    return jnp.take(style_shift_weight, x, axis=0)

if __name__ == "__main__":
    import jax
    _d = setup_inputs()
    print(jax.jit(kernel)(*tuple(_d.values())))

</pallas_src>

<mosaic_0001>
#map = affine_map<(d0, d1) -> (0, 0)>
#map1 = affine_map<(d0, d1) -> (0)>
module attributes {stable_mosaic.version = 14 : i64} {
  func.func @gather_kernel(%arg0: i32, %arg1: i32, %arg2: memref<32x1000000xf32, #tpu.memory_space<hbm>>, %arg3: memref<16384xi32, #tpu.memory_space<hbm>>, %arg4: memref<32x16384xf32, #tpu.memory_space<hbm>>, %arg5: memref<512xi32, #tpu.memory_space<vmem>>, %arg6: memref<16x32x128xf32, #tpu.memory_space<vmem>>, %arg7: memref<32x512xf32, #tpu.memory_space<vmem>>, %arg8: memref<!tpu.dma_semaphore, #tpu.memory_space<semaphore_mem>>) attributes {dimension_semantics = [#tpu.dimension_semantics<core_parallel>, #tpu.dimension_semantics<subcore_parallel>], iteration_bounds = array<i64: 2, 16>, scalar_prefetch = 0 : i64, scratch_operands = 4 : i64, tpu.core_type = #tpu.core_type<sc_vector_subcore>, window_params = [{transform_indices = #map}, {transform_indices = #map1}, {transform_indices = #map}]} {
    %mul3A = arith.constant 2 : i32
    %mul3A_0 = arith.muli %arg1, %mul3A : i32
    %add3A = arith.addi %mul3A_0, %arg0 : i32
    %mul3A_1 = arith.constant 512 : i32
    %mul3A_2 = arith.muli %add3A, %mul3A_1 : i32
    "tpu.region"() ({
      %run_scoped3A = tpu.sem_alloc : memref<!tpu.dma_semaphore, #tpu.memory_space<semaphore_mem>>
      %dma_start3A = tpu.memref_slice %arg3[%mul3A_2] : memref<16384xi32, #tpu.memory_space<hbm>> -> memref<512xi32, #tpu.memory_space<hbm>>
      %dma_start3A_16 = tpu.memref_slice %arg3[%mul3A_2] : memref<16384xi32, #tpu.memory_space<hbm>> -> memref<512xi32, #tpu.memory_space<hbm>>
      tpu.enqueue_dma source(%dma_start3A_16 : memref<512xi32, #tpu.memory_space<hbm>>) target(%arg5 : memref<512xi32, #tpu.memory_space<vmem>>) target_semaphore(%run_scoped3A : memref<!tpu.dma_semaphore, #tpu.memory_space<semaphore_mem>>)
      %dma_wait3A = tpu.memref_slice %arg3[%mul3A_2] : memref<16384xi32, #tpu.memory_space<hbm>> -> memref<512xi32, #tpu.memory_space<hbm>>
      %dma_wait3A_17 = tpu.memref_slice %arg3[%mul3A_2] : memref<16384xi32, #tpu.memory_space<hbm>> -> memref<512xi32, #tpu.memory_space<hbm>>
      tpu.wait_dma2 semaphore(%run_scoped3A : memref<!tpu.dma_semaphore, #tpu.memory_space<semaphore_mem>>) src(%dma_wait3A_17 : memref<512xi32, #tpu.memory_space<hbm>>) dst(%arg5 : memref<512xi32, #tpu.memory_space<vmem>>)
      tpu.yield
    }) : () -> ()
    %iota3A = tpu.iota {dimensions = array<i32: 0>} : vector<16xi32>
    %mul3A_3 = arith.constant 0 : i32
    %mul3A_4 = vector.broadcast %mul3A_3 : i32 to vector<16xi32>
    %mul3A_5 = arith.muli %iota3A, %mul3A_4 : vector<16xi32>
    %add3A_6 = arith.constant 0 : i32
    %add3A_7 = vector.broadcast %add3A_6 : i32 to vector<16xi32>
    %add3A_8 = arith.addi %iota3A, %add3A_7 : vector<16xi32>
    %add3A_9 = arith.constant 16 : i32
    %add3A_10 = vector.broadcast %add3A_9 : i32 to vector<16xi32>
    %add3A_11 = arith.addi %iota3A, %add3A_10 : vector<16xi32>
    %scan3A = arith.constant 0 : i32
    %scan3A_12 = arith.constant 32 : i32
    %scan3A_13 = arith.addi %scan3A, %scan3A_12 : i32
    %scan3A_14 = arith.constant 1 : i32
    scf.for %scan3A_16 = %scan3A to %scan3A_13 step %scan3A_14  : i32 {
      %mul3A_17 = arith.constant 1 : i32
      %mul3A_18 = arith.muli %scan3A_16, %mul3A_17 : i32
      %add3A_19 = arith.constant 0 : i32
      %add3A_20 = arith.addi %add3A_19, %mul3A_18 : i32
      %mul3A_21 = arith.constant 16 : i32
      %mul3A_22 = arith.muli %add3A_20, %mul3A_21 : i32
      %get3A = arith.index_cast %mul3A_22 : i32 to index
      %get3A_23 = tpu.vector_load %arg5[%get3A] {strides = array<i32>} : memref<512xi32, #tpu.memory_space<vmem>>, vector<16xi32>,
      %slice3A = vector.extract_strided_slice %get3A_23 {offsets = [0], sizes = [1], strides = [1]} : vector<16xi32> to vector<1xi32>
      %squeeze3A = vector.extract %slice3A[0] : i32 from vector<1xi32>
      %slice3A_24 = vector.extract_strided_slice %get3A_23 {offsets = [1], sizes = [1], strides = [1]} : vector<16xi32> to vector<1xi32>
      %squeeze3A_25 = vector.extract %slice3A_24[0] : i32 from vector<1xi32>
      %slice3A_26 = vector.extract_strided_slice %get3A_23 {offsets = [2], sizes = [1], strides = [1]} : vector<16xi32> to vector<1xi32>
      %squeeze3A_27 = vector.extract %slice3A_26[0] : i32 from vector<1xi32>
      %slice3A_28 = vector.extract_strided_slice %get3A_23 {offsets = [3], sizes = [1], strides = [1]} : vector<16xi32> to vector<1xi32>
      %squeeze3A_29 = vector.extract %slice3A_28[0] : i32 from vector<1xi32>
      %slice3A_30 = vector.extract_strided_slice %get3A_23 {offsets = [4], sizes = [1], strides = [1]} : vector<16xi32> to vector<1xi32>
      %squeeze3A_31 = vector.extract %slice3A_30[0] : i32 from vector<1xi32>
      %slice3A_32 = vector.extract_strided_slice %get3A_23 {offsets = [5], sizes = [1], strides = [1]} : vector<16xi32> to vector<1xi32>
      %squeeze3A_33 = vector.extract %slice3A_32[0] : i32 from vector<1xi32>
      %slice3A_34 = vector.extract_strided_slice %get3A_23 {offsets = [6], sizes = [1], strides = [1]} : vector<16xi32> to vector<1xi32>
      %squeeze3A_35 = vector.extract %slice3A_34[0] : i32 from vector<1xi32>
      %slice3A_36 = vector.extract_strided_slice %get3A_23 {offsets = [7], sizes = [1], strides = [1]} : vector<16xi32> to vector<1xi32>
      %squeeze3A_37 = vector.extract %slice3A_36[0] : i32 from vector<1xi32>
      %slice3A_38 = vector.extract_strided_slice %get3A_23 {offsets = [8], sizes = [1], strides = [1]} : vector<16xi32> to vector<1xi32>
      %squeeze3A_39 = vector.extract %slice3A_38[0] : i32 from vector<1xi32>
      %slice3A_40 = vector.extract_strided_slice %get3A_23 {offsets = [9], sizes = [1], strides = [1]} : vector<16xi32> to vector<1xi32>
      %squeeze3A_41 = vector.extract %slice3A_40[0] : i32 from vector<1xi32>
      %slice3A_42 = vector.extract_strided_slice %get3A_23 {offsets = [10], sizes = [1], strides = [1]} : vector<16xi32> to vector<1xi32>
      %squeeze3A_43 = vector.extract %slice3A_42[0] : i32 from vector<1xi32>
      %slice3A_44 = vector.extract_strided_slice %get3A_23 {offsets = [11], sizes = [1], strides = [1]} : vector<16xi32> to vector<1xi32>
      %squeeze3A_45 = vector.extract %slice3A_44[0] : i32 from vector<1xi32>
      %slice3A_46 = vector.extract_strided_slice %get3A_23 {offsets = [12], sizes = [1], strides = [1]} : vector<16xi32> to vector<1xi32>
      %squeeze3A_47 = vector.extract %slice3A_46[0] : i32 from vector<1xi32>
      %slice3A_48 = vector.extract_strided_slice %get3A_23 {offsets = [13], sizes = [1], strides = [1]} : vector<16xi32> to vector<1xi32>
      %squeeze3A_49 = vector.extract %slice3A_48[0] : i32 from vector<1xi32>
      %slice3A_50 = vector.extract_strided_slice %get3A_23 {offsets = [14], sizes = [1], strides = [1]} : vector<16xi32> to vector<1xi32>
      %squeeze3A_51 = vector.extract %slice3A_50[0] : i32 from vector<1xi32>
      %slice3A_52 = vector.extract_strided_slice %get3A_23 {offsets = [15], sizes = [1], strides = [1]} : vector<16xi32> to vector<1xi32>
      %squeeze3A_53 = vector.extract %slice3A_52[0] : i32 from vector<1xi32>
      %shift_right_logical3A = arith.constant 7 : i32
      %shift_right_logical3A_54 = arith.shrui %squeeze3A, %shift_right_logical3A : i32
      %mul3A_55 = arith.constant 128 : i32
      %mul3A_56 = arith.muli %shift_right_logical3A_54, %mul3A_55 : i32
      %dma_start3A = arith.constant 0 : i32
      %dma_start3A_57 = arith.constant 0 : i32
      %dma_start3A_58 = arith.constant 0 : i32
      %dma_start3A_59 = tpu.memref_slice %arg6[%dma_start3A, %dma_start3A_57, %dma_start3A_58] : memref<16x32x128xf32, #tpu.memory_space<vmem>> -> memref<1x32x128xf32, #tpu.memory_space<vmem>>
      %dma_start3A_60 = tpu.memref_squeeze %dma_start3A_59 : memref<1x32x128xf32, #tpu.memory_space<vmem>> -> memref<32x128xf32, #tpu.memory_space<vmem>>
      %dma_start3A_61 = arith.constant 0 : i32
      %dma_start3A_62 = tpu.memref_slice %arg2[%dma_start3A_61, %mul3A_56] : memref<32x1000000xf32, #tpu.memory_space<hbm>> -> memref<32x128xf32, #tpu.memory_space<hbm>>
      %dma_start3A_63 = arith.constant 0 : i32
      %dma_start3A_64 = arith.constant 0 : i32
      %dma_start3A_65 = tpu.memref_slice %arg6[%dma_start3A, %dma_start3A_63, %dma_start3A_64] : memref<16x32x128xf32, #tpu.memory_space<vmem>> -> memref<1x32x128xf32, #tpu.memory_space<vmem>>
      %dma_start3A_66 = tpu.memref_squeeze %dma_start3A_65 : memref<1x32x128xf32, #tpu.memory_space<vmem>> -> memref<32x128xf32, #tpu.memory_space<vmem>>
      %dma_start3A_67 = arith.constant 0 : i32
      %dma_start3A_68 = tpu.memref_slice %arg2[%dma_start3A_67, %mul3A_56] : memref<32x1000000xf32, #tpu.memory_space<hbm>> -> memref<32x128xf32, #tpu.memory_space<hbm>>
      tpu.enqueue_dma source(%dma_start3A_68 : memref<32x128xf32, #tpu.memory_space<hbm>>) target(%dma_start3A_66 : memref<32x128xf32, #tpu.memory_space<vmem>>) target_semaphore(%arg8 : memref<!tpu.dma_semaphore, #tpu.memory_space<semaphore_mem>>)
      %shift_right_logical3A_69 = arith.constant 7 : i32
      %shift_right_logical3A_70 = arith.shrui %squeeze3A_25, %shift_right_logical3A_69 : i32
      %mul3A_71 = arith.constant 128 : i32
      %mul3A_72 = arith.muli %shift_right_logical3A_70, %mul3A_71 : i32
      %dma_start3A_73 = arith.constant 1 : i32
      %dma_start3A_74 = arith.constant 0 : i32
      %dma_start3A_75 = arith.constant 0 : i32
      %dma_start3A_76 = tpu.memref_slice %arg6[%dma_start3A_73, %dma_start3A_74, %dma_start3A_75] : memref<16x32x128xf32, #tpu.memory_space<vmem>> -> memref<1x32x128xf32, #tpu.memory_space<vmem>>
      %dma_start3A_77 = tpu.memref_squeeze %dma_start3A_76 : memref<1x32x128xf32, #tpu.memory_space<vmem>> -> memref<32x128xf32, #tpu.memory_space<vmem>>
      %dma_start3A_78 = arith.constant 0 : i32
      %dma_start3A_79 = tpu.memref_slice %arg2[%dma_start3A_78, %mul3A_72] : memref<32x1000000xf32, #tpu.memory_space<hbm>> -> memref<32x128xf32, #tpu.memory_space<hbm>>
      %dma_start3A_80 = arith.constant 0 : i32
      %dma_start3A_81 = arith.constant 0 : i32
      %dma_start3A_82 = tpu.memref_slice %arg6[%dma_start3A_73, %dma_start3A_80, %dma_start3A_81] : memref<16x32x128xf32, #tpu.memory_space<vmem>> -> memref<1x32x128xf32, #tpu.memory_space<vmem>>
      %dma_start3A_83 = tpu.memref_squeeze %dma_start3A_82 : memref<1x32x128xf32, #tpu.memory_space<vmem>> -> memref<32x128xf32, #tpu.memory_space<vmem>>
      %dma_start3A_84 = arith.constant 0 : i32
      %dma_start3A_85 = tpu.memref_slice %arg2[%dma_start3A_84, %mul3A_72] : memref<32x1000000xf32, #tpu.memory_space<hbm>> -> memref<32x128xf32, #tpu.memory_space<hbm>>
      tpu.enqueue_dma source(%dma_start3A_85 : memref<32x128xf32, #tpu.memory_space<hbm>>) target(%dma_start3A_83 : memref<32x128xf32, #tpu.memory_space<vmem>>) target_semaphore(%arg8 : memref<!tpu.dma_semaphore, #tpu.memory_space<semaphore_mem>>)
      %shift_right_logical3A_86 = arith.constant 7 : i32
      %shift_right_logical3A_87 = arith.shrui %squeeze3A_27, %shift_right_logical3A_86 : i32
      %mul3A_88 = arith.constant 128 : i32
      %mul3A_89 = arith.muli %shift_right_logical3A_87, %mul3A_88 : i32
      %dma_start3A_90 = arith.constant 2 : i32
      %dma_start3A_91 = arith.constant 0 : i32
      %dma_start3A_92 = arith.constant 0 : i32
      %dma_start3A_93 = tpu.memref_slice %arg6[%dma_start3A_90, %dma_start3A_91, %dma_start3A_92] : memref<16x32x128xf32, #tpu.memory_space<vmem>> -> memref<1x32x128xf32, #tpu.memory_space<vmem>>
      %dma_start3A_94 = tpu.memref_squeeze %dma_start3A_93 : memref<1x32x128xf32, #tpu.memory_space<vmem>> -> memref<32x128xf32, #tpu.memory_space<vmem>>
      %dma_start3A_95 = arith.constant 0 : i32
      %dma_start3A_96 = tpu.memref_slice %arg2[%dma_start3A_95, %mul3A_89] : memref<32x1000000xf32, #tpu.memory_space<hbm>> -> memref<32x128xf32, #tpu.memory_space<hbm>>
      %dma_start3A_97 = arith.constant 0 : i32
      %dma_start3A_98 = arith.constant 0 : i32
      %dma_start3A_99 = tpu.memref_slice %arg6[%dma_start3A_90, %dma_start3A_97, %dma_start3A_98] : memref<16x32x128xf32, #tpu.memory_space<vmem>> -> memref<1x32x128xf32, #tpu.memory_space<vmem>>
      %dma_start3A_100 = tpu.memref_squeeze %dma_start3A_99 : memref<1x32x128xf32, #tpu.memory_space<vmem>> -> memref<32x128xf32, #tpu.memory_space<vmem>>
      %dma_start3A_101 = arith.constant 0 : i32
      %dma_start3A_102 = tpu.memref_slice %arg2[%dma_start3A_101, %mul3A_89] : memref<32x1000000xf32, #tpu.memory_space<hbm>> -> memref<32x128xf32, #tpu.memory_space<hbm>>
      tpu.enqueue_dma source(%dma_start3A_102 : memref<32x128xf32, #tpu.memory_space<hbm>>) target(%dma_start3A_100 : memref<32x128xf32, #tpu.memory_space<vmem>>) target_semaphore(%arg8 : memref<!tpu.dma_semaphore, #tpu.memory_space<semaphore_mem>>)
      %shift_right_logical3A_103 = arith.constant 7 : i32
      %shift_right_logical3A_104 = arith.shrui %squeeze3A_29, %shift_right_logical3A_103 : i32
      %mul3A_105 = arith.constant 128 : i32
      %mul3A_106 = arith.muli %shift_right_logical3A_104, %mul3A_105 : i32
      %dma_start3A_107 = arith.constant 3 : i32
      %dma_start3A_108 = arith.constant 0 : i32
      %dma_start3A_109 = arith.constant 0 : i32
      %dma_start3A_110 = tpu.memref_slice %arg6[%dma_start3A_107, %dma_start3A_108, %dma_start3A_109] : memref<16x32x128xf32, #tpu.memory_space<vmem>> -> memref<1x32x128xf32, #tpu.memory_space<vmem>>
      %dma_start3A_111 = tpu.memref_squeeze %dma_start3A_110 : memref<1x32x128xf32, #tpu.memory_space<vmem>> -> memref<32x128xf32, #tpu.memory_space<vmem>>
      %dma_start3A_112 = arith.constant 0 : i32
      %dma_start3A_113 = tpu.memref_slice %arg2[%dma_start3A_112, %mul3A_106] : memref<32x1000000xf32, #tpu.memory_space<hbm>> -> memref<32x128xf32, #tpu.memory_space<hbm>>
      %dma_start3A_114 = arith.constant 0 : i32
      %dma_start3A_115 = arith.constant 0 : i32
      %dma_start3A_116 = tpu.memref_slice %arg6[%dma_start3A_107, %dma_start3A_114, %dma_start3A_115] : memref<16x32x128xf32, #tpu.memory_space<vmem>> -> memref<1x32x128xf32, #tpu.memory_space<vmem>>
      %dma_start3A_117 = tpu.memref_squeeze %dma_start3A_116 : memref<1x32x128xf32, #tpu.memory_space<vmem>> -> memref<32x128xf32, #tpu.memory_space<vmem>>
      %dma_start3A_118 = arith.constant 0 : i32
      %dma_start3A_119 = tpu.memref_slice %arg2[%dma_start3A_118, %mul3A_106] : memref<32x1000000xf32, #tpu.memory_space<hbm>> -> memref<32x128xf32, #tpu.memory_space<hbm>>
      tpu.enqueue_dma source(%dma_start3A_119 : memref<32x128xf32, #tpu.memory_space<hbm>>) target(%dma_start3A_117 : memref<32x128xf32, #tpu.memory_space<vmem>>) target_semaphore(%arg8 : memref<!tpu.dma_semaphore, #tpu.memory_space<semaphore_mem>>)
      %shift_right_logical3A_120 = arith.constant 7 : i32
      %shift_right_logical3A_121 = arith.shrui %squeeze3A_31, %shift_right_logical3A_120 : i32
      %mul3A_122 = arith.constant 128 : i32
      %mul3A_123 = arith.muli %shift_right_logical3A_121, %mul3A_122 : i32
      %dma_start3A_124 = arith.constant 4 : i32
      %dma_start3A_125 = arith.constant 0 : i32
      %dma_start3A_126 = arith.constant 0 : i32
      %dma_start3A_127 = tpu.memref_slice %arg6[%dma_start3A_124, %dma_start3A_125, %dma_start3A_126] : memref<16x32x128xf32, #tpu.memory_space<vmem>> -> memref<1x32x128xf32, #tpu.memory_space<vmem>>
      %dma_start3A_128 = tpu.memref_squeeze %dma_start3A_127 : memref<1x32x128xf32, #tpu.memory_space<vmem>> -> memref<32x128xf32, #tpu.memory_space<vmem>>
      %dma_start3A_129 = arith.constant 0 : i32
      %dma_start3A_130 = tpu.memref_slice %arg2[%dma_start3A_129, %mul3A_123] : memref<32x1000000xf32, #tpu.memory_space<hbm>> -> memref<32x128xf32, #tpu.memory_space<hbm>>
      %dma_start3A_131 = arith.constant 0 : i32
      %dma_start3A_132 = arith.constant 0 : i32
      %dma_start3A_133 = tpu.memref_slice %arg6[%dma_start3A_124, %dma_start3A_131, %dma_start3A_132] : memref<16x32x128xf32, #tpu.memory_space<vmem>> -> memref<1x32x128xf32, #tpu.memory_space<vmem>>
      %dma_start3A_134 = tpu.memref_squeeze %dma_start3A_133 : memref<1x32x128xf32, #tpu.memory_space<vmem>> -> memref<32x128xf32, #tpu.memory_space<vmem>>
      %dma_start3A_135 = arith.constant 0 : i32
      %dma_start3A_136 = tpu.memref_slice %arg2[%dma_start3A_135, %mul3A_123] : memref<32x1000000xf32, #tpu.memory_space<hbm>> -> memref<32x128xf32, #tpu.memory_space<hbm>>
      tpu.enqueue_dma source(%dma_start3A_136 : memref<32x128xf32, #tpu.memory_space<hbm>>) target(%dma_start3A_134 : memref<32x128xf32, #tpu.memory_space<vmem>>) target_semaphore(%arg8 : memref<!tpu.dma_semaphore, #tpu.memory_space<semaphore_mem>>)
      %shift_right_logical3A_137 = arith.constant 7 : i32
      %shift_right_logical3A_138 = arith.shrui %squeeze3A_33, %shift_right_logical3A_137 : i32
      %mul3A_139 = arith.constant 128 : i32
      %mul3A_140 = arith.muli %shift_right_logical3A_138, %mul3A_139 : i32
      %dma_start3A_141 = arith.constant 5 : i32
      %dma_start3A_142 = arith.constant 0 : i32
      %dma_start3A_143 = arith.constant 0 : i32
      %dma_start3A_144 = tpu.memref_slice %arg6[%dma_start3A_141, %dma_start3A_142, %dma_start3A_143] : memref<16x32x128xf32, #tpu.memory_space<vmem>> -> memref<1x32x128xf32, #tpu.memory_space<vmem>>
      %dma_start3A_145 = tpu.memref_squeeze %dma_start3A_144 : memref<1x32x128xf32, #tpu.memory_space<vmem>> -> memref<32x128xf32, #tpu.memory_space<vmem>>
      %dma_start3A_146 = arith.constant 0 : i32
      %dma_start3A_147 = tpu.memref_slice %arg2[%dma_start3A_146, %mul3A_140] : memref<32x1000000xf32, #tpu.memory_space<hbm>> -> memref<32x128xf32, #tpu.memory_space<hbm>>
      %dma_start3A_148 = arith.constant 0 : i32
      %dma_start3A_149 = arith.constant 0 : i32
      %dma_start3A_150 = tpu.memref_slice %arg6[%dma_start3A_141, %dma_start3A_148, %dma_start3A_149] : memref<16x32x128xf32, #tpu.memory_space<vmem>> -> memref<1x32x128xf32, #tpu.memory_space<vmem>>
      %dma_start3A_151 = tpu.memref_squeeze %dma_start3A_150 : memref<1x32x128xf32, #tpu.memory_space<vmem>> -> memref<32x128xf32, #tpu.memory_space<vmem>>
      %dma_start3A_152 = arith.constant 0 : i32
      %dma_start3A_153 = tpu.memref_slice %arg2[%dma_start3A_152, %mul3A_140] : memref<32x1000000xf32, #tpu.memory_space<hbm>> -> memref<32x128xf32, #tpu.memory_space<hbm>>
      tpu.enqueue_dma source(%dma_start3A_153 : memref<32x128xf32, #tpu.memory_space<hbm>>) target(%dma_start3A_151 : memref<32x128xf32, #tpu.memory_space<vmem>>) target_semaphore(%arg8 : memref<!tpu.dma_semaphore, #tpu.memory_space<semaphore_mem>>)
      %shift_right_logical3A_154 = arith.constant 7 : i32
      %shift_right_logical3A_155 = arith.shrui %squeeze3A_35, %shift_right_logical3A_154 : i32
      %mul3A_156 = arith.constant 128 : i32
      %mul3A_157 = arith.muli %shift_right_logical3A_155, %mul3A_156 : i32
      %dma_start3A_158 = arith.constant 6 : i32
      %dma_start3A_159 = arith.constant 0 : i32
      %dma_start3A_160 = arith.constant 0 : i32
      %dma_start3A_161 = tpu.memref_slice %arg6[%dma_start3A_158, %dma_start3A_159, %dma_start3A_160] : memref<16x32x128xf32, #tpu.memory_space<vmem>> -> memref<1x32x128xf32, #tpu.memory_space<vmem>>
      %dma_start3A_162 = tpu.memref_squeeze %dma_start3A_161 : memref<1x32x128xf32, #tpu.memory_space<vmem>> -> memref<32x128xf32, #tpu.memory_space<vmem>>
      %dma_start3A_163 = arith.constant 0 : i32
      %dma_start3A_164 = tpu.memref_slice %arg2[%dma_start3A_163, %mul3A_157] : memref<32x1000000xf32, #tpu.memory_space<hbm>> -> memref<32x128xf32, #tpu.memory_space<hbm>>
      %dma_start3A_165 = arith.constant 0 : i32
      %dma_start3A_166 = arith.constant 0 : i32
      %dma_start3A_167 = tpu.memref_slice %arg6[%dma_start3A_158, %dma_start3A_165, %dma_start3A_166] : memref<16x32x128xf32, #tpu.memory_space<vmem>> -> memref<1x32x128xf32, #tpu.memory_space<vmem>>
      %dma_start3A_168 = tpu.memref_squeeze %dma_start3A_167 : memref<1x32x128xf32, #tpu.memory_space<vmem>> -> memref<32x128xf32, #tpu.memory_space<vmem>>
      %dma_start3A_169 = arith.constant 0 : i32
      %dma_start3A_170 = tpu.memref_slice %arg2[%dma_start3A_169, %mul3A_157] : memref<32x1000000xf32, #tpu.memory_space<hbm>> -> memref<32x128xf32, #tpu.memory_space<hbm>>
      tpu.enqueue_dma source(%dma_start3A_170 : memref<32x128xf32, #tpu.memory_space<hbm>>) target(%dma_start3A_168 : memref<32x128xf32, #tpu.memory_space<vmem>>) target_semaphore(%arg8 : memref<!tpu.dma_semaphore, #tpu.memory_space<semaphore_mem>>)
      %shift_right_logical3A_171 = arith.constant 7 : i32
      %shift_right_logical3A_172 = arith.shrui %squeeze3A_37, %shift_right_logical3A_171 : i32
      %mul3A_173 = arith.constant 128 : i32
      %mul3A_174 = arith.muli %shift_right_logical3A_172, %mul3A_173 : i32
      %dma_start3A_175 = arith.constant 7 : i32
      %dma_start3A_176 = arith.constant 0 : i32
      %dma_start3A_177 = arith.constant 0 : i32
      %dma_start3A_178 = tpu.memref_slice %arg6[%dma_start3A_175, %dma_start3A_176, %dma_start3A_177] : memref<16x32x128xf32, #tpu.memory_space<vmem>> -> memref<1x32x128xf32, #tpu.memory_space<vmem>>
      %dma_start3A_179 = tpu.memref_squeeze %dma_start3A_178 : memref<1x32x128xf32, #tpu.memory_space<vmem>> -> memref<32x128xf32, #tpu.memory_space<vmem>>
      %dma_start3A_180 = arith.constant 0 : i32
      %dma_start3A_181 = tpu.memref_slice %arg2[%dma_start3A_180, %mul3A_174] : memref<32x1000000xf32, #tpu.memory_space<hbm>> -> memref<32x128xf32, #tpu.memory_space<hbm>>
      %dma_start3A_182 = arith.constant 0 : i32
      %dma_start3A_183 = arith.constant 0 : i32
      %dma_start3A_184 = tpu.memref_slice %arg6[%dma_start3A_175, %dma_start3A_182, %dma_start3A_183] : memref<16x32x128xf32, #tpu.memory_space<vmem>> -> memref<1x32x128xf32, #tpu.memory_space<vmem>>
      %dma_start3A_185 = tpu.memref_squeeze %dma_start3A_184 : memref<1x32x128xf32, #tpu.memory_space<vmem>> -> memref<32x128xf32, #tpu.memory_space<vmem>>
      %dma_start3A_186 = arith.constant 0 : i32
      %dma_start3A_187 = tpu.memref_slice %arg2[%dma_start3A_186, %mul3A_174] : memref<32x1000000xf32, #tpu.memory_space<hbm>> -> memref<32x128xf32, #tpu.memory_space<hbm>>
      tpu.enqueue_dma source(%dma_start3A_187 : memref<32x128xf32, #tpu.memory_space<hbm>>) target(%dma_start3A_185 : memref<32x128xf32, #tpu.memory_space<vmem>>) target_semaphore(%arg8 : memref<!tpu.dma_semaphore, #tpu.memory_space<semaphore_mem>>)
      %shift_right_logical3A_188 = arith.constant 7 : i32
      %shift_right_logical3A_189 = arith.shrui %squeeze3A_39, %shift_right_logical3A_188 : i32
      %mul3A_190 = arith.constant 128 : i32
      %mul3A_191 = arith.muli %shift_right_logical3A_189, %mul3A_190 : i32
      %dma_start3A_192 = arith.constant 8 : i32
      %dma_start3A_193 = arith.constant 0 : i32
      %dma_start3A_194 = arith.constant 0 : i32
      %dma_start3A_195 = tpu.memref_slice %arg6[%dma_start3A_192, %dma_start3A_193, %dma_start3A_194] : memref<16x32x128xf32, #tpu.memory_space<vmem>> -> memref<1x32x128xf32, #tpu.memory_space<vmem>>
      %dma_start3A_196 = tpu.memref_squeeze %dma_start3A_195 : memref<1x32x128xf32, #tpu.memory_space<vmem>> -> memref<32x128xf32, #tpu.memory_space<vmem>>
      %dma_start3A_197 = arith.constant 0 : i32
      %dma_start3A_198 = tpu.memref_slice %arg2[%dma_start3A_197, %mul3A_191] : memref<32x1000000xf32, #tpu.memory_space<hbm>> -> memref<32x128xf32, #tpu.memory_space<hbm>>
      %dma_start3A_199 = arith.constant 0 : i32
      %dma_start3A_200 = arith.constant 0 : i32
      %dma_start3A_201 = tpu.memref_slice %arg6[%dma_start3A_192, %dma_start3A_199, %dma_start3A_200] : memref<16x32x128xf32, #tpu.memory_space<vmem>> -> memref<1x32x128xf32, #tpu.memory_space<vmem>>
      %dma_start3A_202 = tpu.memref_squeeze %dma_start3A_201 : memref<1x32x128xf32, #tpu.memory_space<vmem>> -> memref<32x128xf32, #tpu.memory_space<vmem>>
      %dma_start3A_203 = arith.constant 0 : i32
      %dma_start3A_204 = tpu.memref_slice %arg2[%dma_start3A_203, %mul3A_191] : memref<32x1000000xf32, #tpu.memory_space<hbm>> -> memref<32x128xf32, #tpu.memory_space<hbm>>
      tpu.enqueue_dma source(%dma_start3A_204 : memref<32x128xf32, #tpu.memory_space<hbm>>) target(%dma_start3A_202 : memref<32x128xf32, #tpu.memory_space<vmem>>) target_semaphore(%arg8 : memref<!tpu.dma_semaphore, #tpu.memory_space<semaphore_mem>>)
      %shift_right_logical3A_205 = arith.constant 7 : i32
      %shift_right_logical3A_206 = arith.shrui %squeeze3A_41, %shift_right_logical3A_205 : i32
      %mul3A_207 = arith.constant 128 : i32
      %mul3A_208 = arith.muli %shift_right_logical3A_206, %mul3A_207 : i32
      %dma_start3A_209 = arith.constant 9 : i32
      %dma_start3A_210 = arith.constant 0 : i32
      %dma_start3A_211 = arith.constant 0 : i32
      %dma_start3A_212 = tpu.memref_slice %arg6[%dma_start3A_209, %dma_start3A_210, %dma_start3A_211] : memref<16x32x128xf32, #tpu.memory_space<vmem>> -> memref<1x32x128xf32, #tpu.memory_space<vmem>>
      %dma_start3A_213 = tpu.memref_squeeze %dma_start3A_212 : memref<1x32x128xf32, #tpu.memory_space<vmem>> -> memref<32x128xf32, #tpu.memory_space<vmem>>
      %dma_start3A_214 = arith.constant 0 : i32
      %dma_start3A_215 = tpu.memref_slice %arg2[%dma_start3A_214, %mul3A_208] : memref<32x1000000xf32, #tpu.memory_space<hbm>> -> memref<32x128xf32, #tpu.memory_space<hbm>>
      %dma_start3A_216 = arith.constant 0 : i32
      %dma_start3A_217 = arith.constant 0 : i32
      %dma_start3A_218 = tpu.memref_slice %arg6[%dma_start3A_209, %dma_start3A_216, %dma_start3A_217] : memref<16x32x128xf32, #tpu.memory_space<vmem>> -> memref<1x32x128xf32, #tpu.memory_space<vmem>>
      %dma_start3A_219 = tpu.memref_squeeze %dma_start3A_218 : memref<1x32x128xf32, #tpu.memory_space<vmem>> -> memref<32x128xf32, #tpu.memory_space<vmem>>
      %dma_start3A_220 = arith.constant 0 : i32
      %dma_start3A_221 = tpu.memref_slice %arg2[%dma_start3A_220, %mul3A_208] : memref<32x1000000xf32, #tpu.memory_space<hbm>> -> memref<32x128xf32, #tpu.memory_space<hbm>>
      tpu.enqueue_dma source(%dma_start3A_221 : memref<32x128xf32, #tpu.memory_space<hbm>>) target(%dma_start3A_219 : memref<32x128xf32, #tpu.memory_space<vmem>>) target_semaphore(%arg8 : memref<!tpu.dma_semaphore, #tpu.memory_space<semaphore_mem>>)
      %shift_right_logical3A_222 = arith.constant 7 : i32
      %shift_right_logical3A_223 = arith.shrui %squeeze3A_43, %shift_right_logical3A_222 : i32
      %mul3A_224 = arith.constant 128 : i32
      %mul3A_225 = arith.muli %shift_right_logical3A_223, %mul3A_224 : i32
      %dma_start3A_226 = arith.constant 10 : i32
      %dma_start3A_227 = arith.constant 0 : i32
      %dma_start3A_228 = arith.constant 0 : i32
      %dma_start3A_229 = tpu.memref_slice %arg6[%dma_start3A_226, %dma_start3A_227, %dma_start3A_228] : memref<16x32x128xf32, #tpu.memory_space<vmem>> -> memref<1x32x128xf32, #tpu.memory_space<vmem>>
      %dma_start3A_230 = tpu.memref_squeeze %dma_start3A_229 : memref<1x32x128xf32, #tpu.memory_space<vmem>> -> memref<32x128xf32, #tpu.memory_space<vmem>>
      %dma_start3A_231 = arith.constant 0 : i32
      %dma_start3A_232 = tpu.memref_slice %arg2[%dma_start3A_231, %mul3A_225] : memref<32x1000000xf32, #tpu.memory_space<hbm>> -> memref<32x128xf32, #tpu.memory_space<hbm>>
      %dma_start3A_233 = arith.constant 0 : i32
      %dma_start3A_234 = arith.constant 0 : i32
      %dma_start3A_235 = tpu.memref_slice %arg6[%dma_start3A_226, %dma_start3A_233, %dma_start3A_234] : memref<16x32x128xf32, #tpu.memory_space<vmem>> -> memref<1x32x128xf32, #tpu.memory_space<vmem>>
      %dma_start3A_236 = tpu.memref_squeeze %dma_start3A_235 : memref<1x32x128xf32, #tpu.memory_space<vmem>> -> memref<32x128xf32, #tpu.memory_space<vmem>>
      %dma_start3A_237 = arith.constant 0 : i32
      %dma_start3A_238 = tpu.memref_slice %arg2[%dma_start3A_237, %mul3A_225] : memref<32x1000000xf32, #tpu.memory_space<hbm>> -> memref<32x128xf32, #tpu.memory_space<hbm>>
      tpu.enqueue_dma source(%dma_start3A_238 : memref<32x128xf32, #tpu.memory_space<hbm>>) target(%dma_start3A_236 : memref<32x128xf32, #tpu.memory_space<vmem>>) target_semaphore(%arg8 : memref<!tpu.dma_semaphore, #tpu.memory_space<semaphore_mem>>)
      %shift_right_logical3A_239 = arith.constant 7 : i32
      %shift_right_logical3A_240 = arith.shrui %squeeze3A_45, %shift_right_logical3A_239 : i32
      %mul3A_241 = arith.constant 128 : i32
      %mul3A_242 = arith.muli %shift_right_logical3A_240, %mul3A_241 : i32
      %dma_start3A_243 = arith.constant 11 : i32
      %dma_start3A_244 = arith.constant 0 : i32
      %dma_start3A_245 = arith.constant 0 : i32
      %dma_start3A_246 = tpu.memref_slice %arg6[%dma_start3A_243, %dma_start3A_244, %dma_start3A_245] : memref<16x32x128xf32, #tpu.memory_space<vmem>> -> memref<1x32x128xf32, #tpu.memory_space<vmem>>
      %dma_start3A_247 = tpu.memref_squeeze %dma_start3A_246 : memref<1x32x128xf32, #tpu.memory_space<vmem>> -> memref<32x128xf32, #tpu.memory_space<vmem>>
      %dma_start3A_248 = arith.constant 0 : i32
      %dma_start3A_249 = tpu.memref_slice %arg2[%dma_start3A_248, %mul3A_242] : memref<32x1000000xf32, #tpu.memory_space<hbm>> -> memref<32x128xf32, #tpu.memory_space<hbm>>
      %dma_start3A_250 = arith.constant 0 : i32
      %dma_start3A_251 = arith.constant 0 : i32
      %dma_start3A_252 = tpu.memref_slice %arg6[%dma_start3A_243, %dma_start3A_250, %dma_start3A_251] : memref<16x32x128xf32, #tpu.memory_space<vmem>> -> memref<1x32x128xf32, #tpu.memory_space<vmem>>
      %dma_start3A_253 = tpu.memref_squeeze %dma_start3A_252 : memref<1x32x128xf32, #tpu.memory_space<vmem>> -> memref<32x128xf32, #tpu.memory_space<vmem>>
      %dma_start3A_254 = arith.constant 0 : i32
      %dma_start3A_255 = tpu.memref_slice %arg2[%dma_start3A_254, %mul3A_242] : memref<32x1000000xf32, #tpu.memory_space<hbm>> -> memref<32x128xf32, #tpu.memory_space<hbm>>
      tpu.enqueue_dma source(%dma_start3A_255 : memref<32x128xf32, #tpu.memory_space<hbm>>) target(%dma_start3A_253 : memref<32x128xf32, #tpu.memory_space<vmem>>) target_semaphore(%arg8 : memref<!tpu.dma_semaphore, #tpu.memory_space<semaphore_mem>>)
      %shift_right_logical3A_256 = arith.constant 7 : i32
      %shift_right_logical3A_257 = arith.shrui %squeeze3A_47, %shift_right_logical3A_256 : i32
      %mul3A_258 = arith.constant 128 : i32
      %mul3A_259 = arith.muli %shift_right_logical3A_257, %mul3A_258 : i32
      %dma_start3A_260 = arith.constant 12 : i32
      %dma_start3A_261 = arith.constant 0 : i32
      %dma_start3A_262 = arith.constant 0 : i32
      %dma_start3A_263 = tpu.memref_slice %arg6[%dma_start3A_260, %dma_start3A_261, %dma_start3A_262] : memref<16x32x128xf32, #tpu.memory_space<vmem>> -> memref<1x32x128xf32, #tpu.memory_space<vmem>>
      %dma_start3A_264 = tpu.memref_squeeze %dma_start3A_263 : memref<1x32x128xf32, #tpu.memory_space<vmem>> -> memref<32x128xf32, #tpu.memory_space<vmem>>
      %dma_start3A_265 = arith.constant 0 : i32
      %dma_start3A_266 = tpu.memref_slice %arg2[%dma_start3A_265, %mul3A_259] : memref<32x1000000xf32, #tpu.memory_space<hbm>> -> memref<32x128xf32, #tpu.memory_space<hbm>>
      %dma_start3A_267 = arith.constant 0 : i32
      %dma_start3A_268 = arith.constant 0 : i32
      %dma_start3A_269 = tpu.memref_slice %arg6[%dma_start3A_260, %dma_start3A_267, %dma_start3A_268] : memref<16x32x128xf32, #tpu.memory_space<vmem>> -> memref<1x32x128xf32, #tpu.memory_space<vmem>>
      %dma_start3A_270 = tpu.memref_squeeze %dma_start3A_269 : memref<1x32x128xf32, #tpu.memory_space<vmem>> -> memref<32x128xf32, #tpu.memory_space<vmem>>
      %dma_start3A_271 = arith.constant 0 : i32
      %dma_start3A_272 = tpu.memref_slice %arg2[%dma_start3A_271, %mul3A_259] : memref<32x1000000xf32, #tpu.memory_space<hbm>> -> memref<32x128xf32, #tpu.memory_space<hbm>>
      tpu.enqueue_dma source(%dma_start3A_272 : memref<32x128xf32, #tpu.memory_space<hbm>>) target(%dma_start3A_270 : memref<32x128xf32, #tpu.memory_space<vmem>>) target_semaphore(%arg8 : memref<!tpu.dma_semaphore, #tpu.memory_space<semaphore_mem>>)
      %shift_right_logical3A_273 = arith.constant 7 : i32
      %shift_right_logical3A_274 = arith.shrui %squeeze3A_49, %shift_right_logical3A_273 : i32
      %mul3A_275 = arith.constant 128 : i32
      %mul3A_276 = arith.muli %shift_right_logical3A_274, %mul3A_275 : i32
      %dma_start3A_277 = arith.constant 13 : i32
      %dma_start3A_278 = arith.constant 0 : i32
      %dma_start3A_279 = arith.constant 0 : i32
      %dma_start3A_280 = tpu.memref_slice %arg6[%dma_start3A_277, %dma_start3A_278, %dma_start3A_279] : memref<16x32x128xf32, #tpu.memory_space<vmem>> -> memref<1x32x128xf32, #tpu.memory_space<vmem>>
      %dma_start3A_281 = tpu.memref_squeeze %dma_start3A_280 : memref<1x32x128xf32, #tpu.memory_space<vmem>> -> memref<32x128xf32, #tpu.memory_space<vmem>>
      %dma_start3A_282 = arith.constant 0 : i32
      %dma_start3A_283 = tpu.memref_slice %arg2[%dma_start3A_282, %mul3A_276] : memref<32x1000000xf32, #tpu.memory_space<hbm>> -> memref<32x128xf32, #tpu.memory_space<hbm>>
      %dma_start3A_284 = arith.constant 0 : i32
      %dma_start3A_285 = arith.constant 0 : i32
      %dma_start3A_286 = tpu.memref_slice %arg6[%dma_start3A_277, %dma_start3A_284, %dma_start3A_285] : memref<16x32x128xf32, #tpu.memory_space<vmem>> -> memref<1x32x128xf32, #tpu.memory_space<vmem>>
      %dma_start3A_287 = tpu.memref_squeeze %dma_start3A_286 : memref<1x32x128xf32, #tpu.memory_space<vmem>> -> memref<32x128xf32, #tpu.memory_space<vmem>>
      %dma_start3A_288 = arith.constant 0 : i32
      %dma_start3A_289 = tpu.memref_slice %arg2[%dma_start3A_288, %mul3A_276] : memref<32x1000000xf32, #tpu.memory_space<hbm>> -> memref<32x128xf32, #tpu.memory_space<hbm>>
      tpu.enqueue_dma source(%dma_start3A_289 : memref<32x128xf32, #tpu.memory_space<hbm>>) target(%dma_start3A_287 : memref<32x128xf32, #tpu.memory_space<vmem>>) target_semaphore(%arg8 : memref<!tpu.dma_semaphore, #tpu.memory_space<semaphore_mem>>)
      %shift_right_logical3A_290 = arith.constant 7 : i32
      %shift_right_logical3A_291 = arith.shrui %squeeze3A_51, %shift_right_logical3A_290 : i32
      %mul3A_292 = arith.constant 128 : i32
      %mul3A_293 = arith.muli %shift_right_logical3A_291, %mul3A_292 : i32
      %dma_start3A_294 = arith.constant 14 : i32
      %dma_start3A_295 = arith.constant 0 : i32
      %dma_start3A_296 = arith.constant 0 : i32
      %dma_start3A_297 = tpu.memref_slice %arg6[%dma_start3A_294, %dma_start3A_295, %dma_start3A_296] : memref<16x32x128xf32, #tpu.memory_space<vmem>> -> memref<1x32x128xf32, #tpu.memory_space<vmem>>
      %dma_start3A_298 = tpu.memref_squeeze %dma_start3A_297 : memref<1x32x128xf32, #tpu.memory_space<vmem>> -> memref<32x128xf32, #tpu.memory_space<vmem>>
      %dma_start3A_299 = arith.constant 0 : i32
      %dma_start3A_300 = tpu.memref_slice %arg2[%dma_start3A_299, %mul3A_293] : memref<32x1000000xf32, #tpu.memory_space<hbm>> -> memref<32x128xf32, #tpu.memory_space<hbm>>
      %dma_start3A_301 = arith.constant 0 : i32
      %dma_start3A_302 = arith.constant 0 : i32
      %dma_start3A_303 = tpu.memref_slice %arg6[%dma_start3A_294, %dma_start3A_301, %dma_start3A_302] : memref<16x32x128xf32, #tpu.memory_space<vmem>> -> memref<1x32x128xf32, #tpu.memory_space<vmem>>
      %dma_start3A_304 = tpu.memref_squeeze %dma_start3A_303 : memref<1x32x128xf32, #tpu.memory_space<vmem>> -> memref<32x128xf32, #tpu.memory_space<vmem>>
      %dma_start3A_305 = arith.constant 0 : i32
      %dma_start3A_306 = tpu.memref_slice %arg2[%dma_start3A_305, %mul3A_293] : memref<32x1000000xf32, #tpu.memory_space<hbm>> -> memref<32x128xf32, #tpu.memory_space<hbm>>
      tpu.enqueue_dma source(%dma_start3A_306 : memref<32x128xf32, #tpu.memory_space<hbm>>) target(%dma_start3A_304 : memref<32x128xf32, #tpu.memory_space<vmem>>) target_semaphore(%arg8 : memref<!tpu.dma_semaphore, #tpu.memory_space<semaphore_mem>>)
      %shift_right_logical3A_307 = arith.constant 7 : i32
      %shift_right_logical3A_308 = arith.shrui %squeeze3A_53, %shift_right_logical3A_307 : i32
      %mul3A_309 = arith.constant 128 : i32
      %mul3A_310 = arith.muli %shift_right_logical3A_308, %mul3A_309 : i32
      %dma_start3A_311 = arith.constant 15 : i32
      %dma_start3A_312 = arith.constant 0 : i32
      %dma_start3A_313 = arith.constant 0 : i32
      %dma_start3A_314 = tpu.memref_slice %arg6[%dma_start3A_311, %dma_start3A_312, %dma_start3A_313] : memref<16x32x128xf32, #tpu.memory_space<vmem>> -> memref<1x32x128xf32, #tpu.memory_space<vmem>>
      %dma_start3A_315 = tpu.memref_squeeze %dma_start3A_314 : memref<1x32x128xf32, #tpu.memory_space<vmem>> -> memref<32x128xf32, #tpu.memory_space<vmem>>
      %dma_start3A_316 = arith.constant 0 : i32
      %dma_start3A_317 = tpu.memref_slice %arg2[%dma_start3A_316, %mul3A_310] : memref<32x1000000xf32, #tpu.memory_space<hbm>> -> memref<32x128xf32, #tpu.memory_space<hbm>>
      %dma_start3A_318 = arith.constant 0 : i32
      %dma_start3A_319 = arith.constant 0 : i32
      %dma_start3A_320 = tpu.memref_slice %arg6[%dma_start3A_311, %dma_start3A_318, %dma_start3A_319] : memref<16x32x128xf32, #tpu.memory_space<vmem>> -> memref<1x32x128xf32, #tpu.memory_space<vmem>>
      %dma_start3A_321 = tpu.memref_squeeze %dma_start3A_320 : memref<1x32x128xf32, #tpu.memory_space<vmem>> -> memref<32x128xf32, #tpu.memory_space<vmem>>
      %dma_start3A_322 = arith.constant 0 : i32
      %dma_start3A_323 = tpu.memref_slice %arg2[%dma_start3A_322, %mul3A_310] : memref<32x1000000xf32, #tpu.memory_space<hbm>> -> memref<32x128xf32, #tpu.memory_space<hbm>>
      tpu.enqueue_dma source(%dma_start3A_323 : memref<32x128xf32, #tpu.memory_space<hbm>>) target(%dma_start3A_321 : memref<32x128xf32, #tpu.memory_space<vmem>>) target_semaphore(%arg8 : memref<!tpu.dma_semaphore, #tpu.memory_space<semaphore_mem>>)
      %dma_wait3A = arith.constant 0 : i32
      %dma_wait3A_324 = arith.constant 0 : i32
      %dma_wait3A_325 = arith.constant 0 : i32
      %dma_wait3A_326 = tpu.memref_slice %arg6[%dma_wait3A, %dma_wait3A_324, %dma_wait3A_325] : memref<16x32x128xf32, #tpu.memory_space<vmem>> -> memref<1x32x128xf32, #tpu.memory_space<vmem>>
      %dma_wait3A_327 = tpu.memref_squeeze %dma_wait3A_326 : memref<1x32x128xf32, #tpu.memory_space<vmem>> -> memref<32x128xf32, #tpu.memory_space<vmem>>
      %dma_wait3A_328 = arith.constant 0 : i32
      %dma_wait3A_329 = arith.constant 0 : i32
      %dma_wait3A_330 = tpu.memref_slice %arg2[%dma_wait3A_328, %dma_wait3A_329] : memref<32x1000000xf32, #tpu.memory_space<hbm>> -> memref<32x128xf32, #tpu.memory_space<hbm>>
      %dma_wait3A_331 = arith.constant 0 : i32
      %dma_wait3A_332 = arith.constant 0 : i32
      %dma_wait3A_333 = tpu.memref_slice %arg6[%dma_wait3A, %dma_wait3A_331, %dma_wait3A_332] : memref<16x32x128xf32, #tpu.memory_space<vmem>> -> memref<1x32x128xf32, #tpu.memory_space<vmem>>
      %dma_wait3A_334 = tpu.memref_squeeze %dma_wait3A_333 : memref<1x32x128xf32, #tpu.memory_space<vmem>> -> memref<32x128xf32, #tpu.memory_space<vmem>>
      %dma_wait3A_335 = arith.constant 0 : i32
      %dma_wait3A_336 = arith.constant 0 : i32
      %dma_wait3A_337 = tpu.memref_slice %arg2[%dma_wait3A_335, %dma_wait3A_336] : memref<32x1000000xf32, #tpu.memory_space<hbm>> -> memref<32x128xf32, #tpu.memory_space<hbm>>
      tpu.wait_dma2 semaphore(%arg8 : memref<!tpu.dma_semaphore, #tpu.memory_space<semaphore_mem>>) src(%dma_wait3A_337 : memref<32x128xf32, #tpu.memory_space<hbm>>) dst(%dma_wait3A_334 : memref<32x128xf32, #tpu.memory_space<vmem>>)
      %dma_wait3A_338 = arith.constant 0 : i32
      %dma_wait3A_339 = arith.constant 0 : i32
      %dma_wait3A_340 = arith.constant 0 : i32
      %dma_wait3A_341 = tpu.memref_slice %arg6[%dma_wait3A_338, %dma_wait3A_339, %dma_wait3A_340] : memref<16x32x128xf32, #tpu.memory_space<vmem>> -> memref<1x32x128xf32, #tpu.memory_space<vmem>>
      %dma_wait3A_342 = tpu.memref_squeeze %dma_wait3A_341 : memref<1x32x128xf32, #tpu.memory_space<vmem>> -> memref<32x128xf32, #tpu.memory_space<vmem>>
      %dma_wait3A_343 = arith.constant 0 : i32
      %dma_wait3A_344 = arith.constant 0 : i32
      %dma_wait3A_345 = tpu.memref_slice %arg2[%dma_wait3A_343, %dma_wait3A_344] : memref<32x1000000xf32, #tpu.memory_space<hbm>> -> memref<32x128xf32, #tpu.memory_space<hbm>>
      %dma_wait3A_346 = arith.constant 0 : i32
      %dma_wait3A_347 = arith.constant 0 : i32
      %dma_wait3A_348 = tpu.memref_slice %arg6[%dma_wait3A_338, %dma_wait3A_346, %dma_wait3A_347] : memref<16x32x128xf32, #tpu.memory_space<vmem>> -> memref<1x32x128xf32, #tpu.memory_space<vmem>>
      %dma_wait3A_349 = tpu.memref_squeeze %dma_wait3A_348 : memref<1x32x128xf32, #tpu.memory_space<vmem>> -> memref<32x128xf32, #tpu.memory_space<vmem>>
      %dma_wait3A_350 = arith.constant 0 : i32
      %dma_wait3A_351 = arith.constant 0 : i32
      %dma_wait3A_352 = tpu.memref_slice %arg2[%dma_wait3A_350, %dma_wait3A_351] : memref<32x1000000xf32, #tpu.memory_space<hbm>> -> memref<32x128xf32, #tpu.memory_space<hbm>>
      tpu.wait_dma2 semaphore(%arg8 : memref<!tpu.dma_semaphore, #tpu.memory_space<semaphore_mem>>) src(%dma_wait3A_352 : memref<32x128xf32, #tpu.memory_space<hbm>>) dst(%dma_wait3A_349 : memref<32x128xf32, #tpu.memory_space<vmem>>)
      %dma_wait3A_353 = arith.constant 0 : i32
      %dma_wait3A_354 = arith.constant 0 : i32
      %dma_wait3A_355 = arith.constant 0 : i32
      %dma_wait3A_356 = tpu.memref_slice %arg6[%dma_wait3A_353, %dma_wait3A_354, %dma_wait3A_355] : memref<16x32x128xf32, #tpu.memory_space<vmem>> -> memref<1x32x128xf32, #tpu.memory_space<vmem>>
      %dma_wait3A_357 = tpu.memref_squeeze %dma_wait3A_356 : memref<1x32x128xf32, #tpu.memory_space<vmem>> -> memref<32x128xf32, #tpu.memory_space<vmem>>
      %dma_wait3A_358 = arith.constant 0 : i32
      %dma_wait3A_359 = arith.constant 0 : i32
      %dma_wait3A_360 = tpu.memref_slice %arg2[%dma_wait3A_358, %dma_wait3A_359] : memref<32x1000000xf32, #tpu.memory_space<hbm>> -> memref<32x128xf32, #tpu.memory_space<hbm>>
      %dma_wait3A_361 = arith.constant 0 : i32
      %dma_wait3A_362 = arith.constant 0 : i32
      %dma_wait3A_363 = tpu.memref_slice %arg6[%dma_wait3A_353, %dma_wait3A_361, %dma_wait3A_362] : memref<16x32x128xf32, #tpu.memory_space<vmem>> -> memref<1x32x128xf32, #tpu.memory_space<vmem>>
      %dma_wait3A_364 = tpu.memref_squeeze %dma_wait3A_363 : memref<1x32x128xf32, #tpu.memory_space<vmem>> -> memref<32x128xf32, #tpu.memory_space<vmem>>
      %dma_wait3A_365 = arith.constant 0 : i32
      %dma_wait3A_366 = arith.constant 0 : i32
      %dma_wait3A_367 = tpu.memref_slice %arg2[%dma_wait3A_365, %dma_wait3A_366] : memref<32x1000000xf32, #tpu.memory_space<hbm>> -> memref<32x128xf32, #tpu.memory_space<hbm>>
      tpu.wait_dma2 semaphore(%arg8 : memref<!tpu.dma_semaphore, #tpu.memory_space<semaphore_mem>>) src(%dma_wait3A_367 : memref<32x128xf32, #tpu.memory_space<hbm>>) dst(%dma_wait3A_364 : memref<32x128xf32, #tpu.memory_space<vmem>>)
      %dma_wait3A_368 = arith.constant 0 : i32
      %dma_wait3A_369 = arith.constant 0 : i32
      %dma_wait3A_370 = arith.constant 0 : i32
      %dma_wait3A_371 = tpu.memref_slice %arg6[%dma_wait3A_368, %dma_wait3A_369, %dma_wait3A_370] : memref<16x32x128xf32, #tpu.memory_space<vmem>> -> memref<1x32x128xf32, #tpu.memory_space<vmem>>
      %dma_wait3A_372 = tpu.memref_squeeze %dma_wait3A_371 : memref<1x32x128xf32, #tpu.memory_space<vmem>> -> memref<32x128xf32, #tpu.memory_space<vmem>>
      %dma_wait3A_373 = arith.constant 0 : i32
      %dma_wait3A_374 = arith.constant 0 : i32
      %dma_wait3A_375 = tpu.memref_slice %arg2[%dma_wait3A_373, %dma_wait3A_374] : memref<32x1000000xf32, #tpu.memory_space<hbm>> -> memref<32x128xf32, #tpu.memory_space<hbm>>
      %dma_wait3A_376 = arith.constant 0 : i32
      %dma_wait3A_377 = arith.constant 0 : i32
      %dma_wait3A_378 = tpu.memref_slice %arg6[%dma_wait3A_368, %dma_wait3A_376, %dma_wait3A_377] : memref<16x32x128xf32, #tpu.memory_space<vmem>> -> memref<1x32x128xf32, #tpu.memory_space<vmem>>
      %dma_wait3A_379 = tpu.memref_squeeze %dma_wait3A_378 : memref<1x32x128xf32, #tpu.memory_space<vmem>> -> memref<32x128xf32, #tpu.memory_space<vmem>>
      %dma_wait3A_380 = arith.constant 0 : i32
      %dma_wait3A_381 = arith.constant 0 : i32
      %dma_wait3A_382 = tpu.memref_slice %arg2[%dma_wait3A_380, %dma_wait3A_381] : memref<32x1000000xf32, #tpu.memory_space<hbm>> -> memref<32x128xf32, #tpu.memory_space<hbm>>
      tpu.wait_dma2 semaphore(%arg8 : memref<!tpu.dma_semaphore, #tpu.memory_space<semaphore_mem>>) src(%dma_wait3A_382 : memref<32x128xf32, #tpu.memory_space<hbm>>) dst(%dma_wait3A_379 : memref<32x128xf32, #tpu.memory_space<vmem>>)
      %dma_wait3A_383 = arith.constant 0 : i32
      %dma_wait3A_384 = arith.constant 0 : i32
      %dma_wait3A_385 = arith.constant 0 : i32
      %dma_wait3A_386 = tpu.memref_slice %arg6[%dma_wait3A_383, %dma_wait3A_384, %dma_wait3A_385] : memref<16x32x128xf32, #tpu.memory_space<vmem>> -> memref<1x32x128xf32, #tpu.memory_space<vmem>>
      %dma_wait3A_387 = tpu.memref_squeeze %dma_wait3A_386 : memref<1x32x128xf32, #tpu.memory_space<vmem>> -> memref<32x128xf32, #tpu.memory_space<vmem>>
      %dma_wait3A_388 = arith.constant 0 : i32
      %dma_wait3A_389 = arith.constant 0 : i32
      %dma_wait3A_390 = tpu.memref_slice %arg2[%dma_wait3A_388, %dma_wait3A_389] : memref<32x1000000xf32, #tpu.memory_space<hbm>> -> memref<32x128xf32, #tpu.memory_space<hbm>>
      %dma_wait3A_391 = arith.constant 0 : i32
      %dma_wait3A_392 = arith.constant 0 : i32
      %dma_wait3A_393 = tpu.memref_slice %arg6[%dma_wait3A_383, %dma_wait3A_391, %dma_wait3A_392] : memref<16x32x128xf32, #tpu.memory_space<vmem>> -> memref<1x32x128xf32, #tpu.memory_space<vmem>>
      %dma_wait3A_394 = tpu.memref_squeeze %dma_wait3A_393 : memref<1x32x128xf32, #tpu.memory_space<vmem>> -> memref<32x128xf32, #tpu.memory_space<vmem>>
      %dma_wait3A_395 = arith.constant 0 : i32
      %dma_wait3A_396 = arith.constant 0 : i32
      %dma_wait3A_397 = tpu.memref_slice %arg2[%dma_wait3A_395, %dma_wait3A_396] : memref<32x1000000xf32, #tpu.memory_space<hbm>> -> memref<32x128xf32, #tpu.memory_space<hbm>>
      tpu.wait_dma2 semaphore(%arg8 : memref<!tpu.dma_semaphore, #tpu.memory_space<semaphore_mem>>) src(%dma_wait3A_397 : memref<32x128xf32, #tpu.memory_space<hbm>>) dst(%dma_wait3A_394 : memref<32x128xf32, #tpu.memory_space<vmem>>)
      %dma_wait3A_398 = arith.constant 0 : i32
      %dma_wait3A_399 = arith.constant 0 : i32
      %dma_wait3A_400 = arith.constant 0 : i32
      %dma_wait3A_401 = tpu.memref_slice %arg6[%dma_wait3A_398, %dma_wait3A_399, %dma_wait3A_400] : memref<16x32x128xf32, #tpu.memory_space<vmem>> -> memref<1x32x128xf32, #tpu.memory_space<vmem>>
      %dma_wait3A_402 = tpu.memref_squeeze %dma_wait3A_401 : memref<1x32x128xf32, #tpu.memory_space<vmem>> -> memref<32x128xf32, #tpu.memory_space<vmem>>
      %dma_wait3A_403 = arith.constant 0 : i32
      %dma_wait3A_404 = arith.constant 0 : i32
      %dma_wait3A_405 = tpu.memref_slice %arg2[%dma_wait3A_403, %dma_wait3A_404] : memref<32x1000000xf32, #tpu.memory_space<hbm>> -> memref<32x128xf32, #tpu.memory_space<hbm>>
      %dma_wait3A_406 = arith.constant 0 : i32
      %dma_wait3A_407 = arith.constant 0 : i32
      %dma_wait3A_408 = tpu.memref_slice %arg6[%dma_wait3A_398, %dma_wait3A_406, %dma_wait3A_407] : memref<16x32x128xf32, #tpu.memory_space<vmem>> -> memref<1x32x128xf32, #tpu.memory_space<vmem>>
      %dma_wait3A_409 = tpu.memref_squeeze %dma_wait3A_408 : memref<1x32x128xf32, #tpu.memory_space<vmem>> -> memref<32x128xf32, #tpu.memory_space<vmem>>
      %dma_wait3A_410 = arith.constant 0 : i32
      %dma_wait3A_411 = arith.constant 0 : i32
      %dma_wait3A_412 = tpu.memref_slice %arg2[%dma_wait3A_410, %dma_wait3A_411] : memref<32x1000000xf32, #tpu.memory_space<hbm>> -> memref<32x128xf32, #tpu.memory_space<hbm>>
      tpu.wait_dma2 semaphore(%arg8 : memref<!tpu.dma_semaphore, #tpu.memory_space<semaphore_mem>>) src(%dma_wait3A_412 : memref<32x128xf32, #tpu.memory_space<hbm>>) dst(%dma_wait3A_409 : memref<32x128xf32, #tpu.memory_space<vmem>>)
      %dma_wait3A_413 = arith.constant 0 : i32
      %dma_wait3A_414 = arith.constant 0 : i32
      %dma_wait3A_415 = arith.constant 0 : i32
      %dma_wait3A_416 = tpu.memref_slice %arg6[%dma_wait3A_413, %dma_wait3A_414, %dma_wait3A_415] : memref<16x32x128xf32, #tpu.memory_space<vmem>> -> memref<1x32x128xf32, #tpu.memory_space<vmem>>
      %dma_wait3A_417 = tpu.memref_squeeze %dma_wait3A_416 : memref<1x32x128xf32, #tpu.memory_space<vmem>> -> memref<32x128xf32, #tpu.memory_space<vmem>>
      %dma_wait3A_418 = arith.constant 0 : i32
      %dma_wait3A_419 = arith.constant 0 : i32
      %dma_wait3A_420 = tpu.memref_slice %arg2[%dma_wait3A_418, %dma_wait3A_419] : memref<32x1000000xf32, #tpu.memory_space<hbm>> -> memref<32x128xf32, #tpu.memory_space<hbm>>
      %dma_wait3A_421 = arith.constant 0 : i32
      %dma_wait3A_422 = arith.constant 0 : i32
      %dma_wait3A_423 = tpu.memref_slice %arg6[%dma_wait3A_413, %dma_wait3A_421, %dma_wait3A_422] : memref<16x32x128xf32, #tpu.memory_space<vmem>> -> memref<1x32x128xf32, #tpu.memory_space<vmem>>
      %dma_wait3A_424 = tpu.memref_squeeze %dma_wait3A_423 : memref<1x32x128xf32, #tpu.memory_space<vmem>> -> memref<32x128xf32, #tpu.memory_space<vmem>>
      %dma_wait3A_425 = arith.constant 0 : i32
      %dma_wait3A_426 = arith.constant 0 : i32
      %dma_wait3A_427 = tpu.memref_slice %arg2[%dma_wait3A_425, %dma_wait3A_426] : memref<32x1000000xf32, #tpu.memory_space<hbm>> -> memref<32x128xf32, #tpu.memory_space<hbm>>
      tpu.wait_dma2 semaphore(%arg8 : memref<!tpu.dma_semaphore, #tpu.memory_space<semaphore_mem>>) src(%dma_wait3A_427 : memref<32x128xf32, #tpu.memory_space<hbm>>) dst(%dma_wait3A_424 : memref<32x128xf32, #tpu.memory_space<vmem>>)
      %dma_wait3A_428 = arith.constant 0 : i32
      %dma_wait3A_429 = arith.constant 0 : i32
      %dma_wait3A_430 = arith.constant 0 : i32
      %dma_wait3A_431 = tpu.memref_slice %arg6[%dma_wait3A_428, %dma_wait3A_429, %dma_wait3A_430] : memref<16x32x128xf32, #tpu.memory_space<vmem>> -> memref<1x32x128xf32, #tpu.memory_space<vmem>>
      %dma_wait3A_432 = tpu.memref_squeeze %dma_wait3A_431 : memref<1x32x128xf32, #tpu.memory_space<vmem>> -> memref<32x128xf32, #tpu.memory_space<vmem>>
      %dma_wait3A_433 = arith.constant 0 : i32
      %dma_wait3A_434 = arith.constant 0 : i32
      %dma_wait3A_435 = tpu.memref_slice %arg2[%dma_wait3A_433, %dma_wait3A_434] : memref<32x1000000xf32, #tpu.memory_space<hbm>> -> memref<32x128xf32, #tpu.memory_space<hbm>>
      %dma_wait3A_436 = arith.constant 0 : i32
      %dma_wait3A_437 = arith.constant 0 : i32
      %dma_wait3A_438 = tpu.memref_slice %arg6[%dma_wait3A_428, %dma_wait3A_436, %dma_wait3A_437] : memref<16x32x128xf32, #tpu.memory_space<vmem>> -> memref<1x32x128xf32, #tpu.memory_space<vmem>>
      %dma_wait3A_439 = tpu.memref_squeeze %dma_wait3A_438 : memref<1x32x128xf32, #tpu.memory_space<vmem>> -> memref<32x128xf32, #tpu.memory_space<vmem>>
      %dma_wait3A_440 = arith.constant 0 : i32
      %dma_wait3A_441 = arith.constant 0 : i32
      %dma_wait3A_442 = tpu.memref_slice %arg2[%dma_wait3A_440, %dma_wait3A_441] : memref<32x1000000xf32, #tpu.memory_space<hbm>> -> memref<32x128xf32, #tpu.memory_space<hbm>>
      tpu.wait_dma2 semaphore(%arg8 : memref<!tpu.dma_semaphore, #tpu.memory_space<semaphore_mem>>) src(%dma_wait3A_442 : memref<32x128xf32, #tpu.memory_space<hbm>>) dst(%dma_wait3A_439 : memref<32x128xf32, #tpu.memory_space<vmem>>)
      %dma_wait3A_443 = arith.constant 0 : i32
      %dma_wait3A_444 = arith.constant 0 : i32
      %dma_wait3A_445 = arith.constant 0 : i32
      %dma_wait3A_446 = tpu.memref_slice %arg6[%dma_wait3A_443, %dma_wait3A_444, %dma_wait3A_445] : memref<16x32x128xf32, #tpu.memory_space<vmem>> -> memref<1x32x128xf32, #tpu.memory_space<vmem>>
      %dma_wait3A_447 = tpu.memref_squeeze %dma_wait3A_446 : memref<1x32x128xf32, #tpu.memory_space<vmem>> -> memref<32x128xf32, #tpu.memory_space<vmem>>
      %dma_wait3A_448 = arith.constant 0 : i32
      %dma_wait3A_449 = arith.constant 0 : i32
      %dma_wait3A_450 = tpu.memref_slice %arg2[%dma_wait3A_448, %dma_wait3A_449] : memref<32x1000000xf32, #tpu.memory_space<hbm>> -> memref<32x128xf32, #tpu.memory_space<hbm>>
      %dma_wait3A_451 = arith.constant 0 : i32
      %dma_wait3A_452 = arith.constant 0 : i32
      %dma_wait3A_453 = tpu.memref_slice %arg6[%dma_wait3A_443, %dma_wait3A_451, %dma_wait3A_452] : memref<16x32x128xf32, #tpu.memory_space<vmem>> -> memref<1x32x128xf32, #tpu.memory_space<vmem>>
      %dma_wait3A_454 = tpu.memref_squeeze %dma_wait3A_453 : memref<1x32x128xf32, #tpu.memory_space<vmem>> -> memref<32x128xf32, #tpu.memory_space<vmem>>
      %dma_wait3A_455 = arith.constant 0 : i32
      %dma_wait3A_456 = arith.constant 0 : i32
      %dma_wait3A_457 = tpu.memref_slice %arg2[%dma_wait3A_455, %dma_wait3A_456] : memref<32x1000000xf32, #tpu.memory_space<hbm>> -> memref<32x128xf32, #tpu.memory_space<hbm>>
      tpu.wait_dma2 semaphore(%arg8 : memref<!tpu.dma_semaphore, #tpu.memory_space<semaphore_mem>>) src(%dma_wait3A_457 : memref<32x128xf32, #tpu.memory_space<hbm>>) dst(%dma_wait3A_454 : memref<32x128xf32, #tpu.memory_space<vmem>>)
      %dma_wait3A_458 = arith.constant 0 : i32
      %dma_wait3A_459 = arith.constant 0 : i32
      %dma_wait3A_460 = arith.constant 0 : i32
      %dma_wait3A_461 = tpu.memref_slice %arg6[%dma_wait3A_458, %dma_wait3A_459, %dma_wait3A_460] : memref<16x32x128xf32, #tpu.memory_space<vmem>> -> memref<1x32x128xf32, #tpu.memory_space<vmem>>
      %dma_wait3A_462 = tpu.memref_squeeze %dma_wait3A_461 : memref<1x32x128xf32, #tpu.memory_space<vmem>> -> memref<32x128xf32, #tpu.memory_space<vmem>>
      %dma_wait3A_463 = arith.constant 0 : i32
      %dma_wait3A_464 = arith.constant 0 : i32
      %dma_wait3A_465 = tpu.memref_slice %arg2[%dma_wait3A_463, %dma_wait3A_464] : memref<32x1000000xf32, #tpu.memory_space<hbm>> -> memref<32x128xf32, #tpu.memory_space<hbm>>
      %dma_wait3A_466 = arith.constant 0 : i32
      %dma_wait3A_467 = arith.constant 0 : i32
      %dma_wait3A_468 = tpu.memref_slice %arg6[%dma_wait3A_458, %dma_wait3A_466, %dma_wait3A_467] : memref<16x32x128xf32, #tpu.memory_space<vmem>> -> memref<1x32x128xf32, #tpu.memory_space<vmem>>
      %dma_wait3A_469 = tpu.memref_squeeze %dma_wait3A_468 : memref<1x32x128xf32, #tpu.memory_space<vmem>> -> memref<32x128xf32, #tpu.memory_space<vmem>>
      %dma_wait3A_470 = arith.constant 0 : i32
      %dma_wait3A_471 = arith.constant 0 : i32
      %dma_wait3A_472 = tpu.memref_slice %arg2[%dma_wait3A_470, %dma_wait3A_471] : memref<32x1000000xf32, #tpu.memory_space<hbm>> -> memref<32x128xf32, #tpu.memory_space<hbm>>
      tpu.wait_dma2 semaphore(%arg8 : memref<!tpu.dma_semaphore, #tpu.memory_space<semaphore_mem>>) src(%dma_wait3A_472 : memref<32x128xf32, #tpu.memory_space<hbm>>) dst(%dma_wait3A_469 : memref<32x128xf32, #tpu.memory_space<vmem>>)
      %dma_wait3A_473 = arith.constant 0 : i32
      %dma_wait3A_474 = arith.constant 0 : i32
      %dma_wait3A_475 = arith.constant 0 : i32
      %dma_wait3A_476 = tpu.memref_slice %arg6[%dma_wait3A_473, %dma_wait3A_474, %dma_wait3A_475] : memref<16x32x128xf32, #tpu.memory_space<vmem>> -> memref<1x32x128xf32, #tpu.memory_space<vmem>>
      %dma_wait3A_477 = tpu.memref_squeeze %dma_wait3A_476 : memref<1x32x128xf32, #tpu.memory_space<vmem>> -> memref<32x128xf32, #tpu.memory_space<vmem>>
      %dma_wait3A_478 = arith.constant 0 : i32
      %dma_wait3A_479 = arith.constant 0 : i32
      %dma_wait3A_480 = tpu.memref_slice %arg2[%dma_wait3A_478, %dma_wait3A_479] : memref<32x1000000xf32, #tpu.memory_space<hbm>> -> memref<32x128xf32, #tpu.memory_space<hbm>>
      %dma_wait3A_481 = arith.constant 0 : i32
      %dma_wait3A_482 = arith.constant 0 : i32
      %dma_wait3A_483 = tpu.memref_slice %arg6[%dma_wait3A_473, %dma_wait3A_481, %dma_wait3A_482] : memref<16x32x128xf32, #tpu.memory_space<vmem>> -> memref<1x32x128xf32, #tpu.memory_space<vmem>>
      %dma_wait3A_484 = tpu.memref_squeeze %dma_wait3A_483 : memref<1x32x128xf32, #tpu.memory_space<vmem>> -> memref<32x128xf32, #tpu.memory_space<vmem>>
      %dma_wait3A_485 = arith.constant 0 : i32
      %dma_wait3A_486 = arith.constant 0 : i32
      %dma_wait3A_487 = tpu.memref_slice %arg2[%dma_wait3A_485, %dma_wait3A_486] : memref<32x1000000xf32, #tpu.memory_space<hbm>> -> memref<32x128xf32, #tpu.memory_space<hbm>>
      tpu.wait_dma2 semaphore(%arg8 : memref<!tpu.dma_semaphore, #tpu.memory_space<semaphore_mem>>) src(%dma_wait3A_487 : memref<32x128xf32, #tpu.memory_space<hbm>>) dst(%dma_wait3A_484 : memref<32x128xf32, #tpu.memory_space<vmem>>)
      %dma_wait3A_488 = arith.constant 0 : i32
      %dma_wait3A_489 = arith.constant 0 : i32
      %dma_wait3A_490 = arith.constant 0 : i32
      %dma_wait3A_491 = tpu.memref_slice %arg6[%dma_wait3A_488, %dma_wait3A_489, %dma_wait3A_490] : memref<16x32x128xf32, #tpu.memory_space<vmem>> -> memref<1x32x128xf32, #tpu.memory_space<vmem>>
      %dma_wait3A_492 = tpu.memref_squeeze %dma_wait3A_491 : memref<1x32x128xf32, #tpu.memory_space<vmem>> -> memref<32x128xf32, #tpu.memory_space<vmem>>
      %dma_wait3A_493 = arith.constant 0 : i32
      %dma_wait3A_494 = arith.constant 0 : i32
      %dma_wait3A_495 = tpu.memref_slice %arg2[%dma_wait3A_493, %dma_wait3A_494] : memref<32x1000000xf32, #tpu.memory_space<hbm>> -> memref<32x128xf32, #tpu.memory_space<hbm>>
      %dma_wait3A_496 = arith.constant 0 : i32
      %dma_wait3A_497 = arith.constant 0 : i32
      %dma_wait3A_498 = tpu.memref_slice %arg6[%dma_wait3A_488, %dma_wait3A_496, %dma_wait3A_497] : memref<16x32x128xf32, #tpu.memory_space<vmem>> -> memref<1x32x128xf32, #tpu.memory_space<vmem>>
      %dma_wait3A_499 = tpu.memref_squeeze %dma_wait3A_498 : memref<1x32x128xf32, #tpu.memory_space<vmem>> -> memref<32x128xf32, #tpu.memory_space<vmem>>
      %dma_wait3A_500 = arith.constant 0 : i32
      %dma_wait3A_501 = arith.constant 0 : i32
      %dma_wait3A_502 = tpu.memref_slice %arg2[%dma_wait3A_500, %dma_wait3A_501] : memref<32x1000000xf32, #tpu.memory_space<hbm>> -> memref<32x128xf32, #tpu.memory_space<hbm>>
      tpu.wait_dma2 semaphore(%arg8 : memref<!tpu.dma_semaphore, #tpu.memory_space<semaphore_mem>>) src(%dma_wait3A_502 : memref<32x128xf32, #tpu.memory_space<hbm>>) dst(%dma_wait3A_499 : memref<32x128xf32, #tpu.memory_space<vmem>>)
      %dma_wait3A_503 = arith.constant 0 : i32
      %dma_wait3A_504 = arith.constant 0 : i32
      %dma_wait3A_505 = arith.constant 0 : i32
      %dma_wait3A_506 = tpu.memref_slice %arg6[%dma_wait3A_503, %dma_wait3A_504, %dma_wait3A_505] : memref<16x32x128xf32, #tpu.memory_space<vmem>> -> memref<1x32x128xf32, #tpu.memory_space<vmem>>
      %dma_wait3A_507 = tpu.memref_squeeze %dma_wait3A_506 : memref<1x32x128xf32, #tpu.memory_space<vmem>> -> memref<32x128xf32, #tpu.memory_space<vmem>>
      %dma_wait3A_508 = arith.constant 0 : i32
      %dma_wait3A_509 = arith.constant 0 : i32
      %dma_wait3A_510 = tpu.memref_slice %arg2[%dma_wait3A_508, %dma_wait3A_509] : memref<32x1000000xf32, #tpu.memory_space<hbm>> -> memref<32x128xf32, #tpu.memory_space<hbm>>
      %dma_wait3A_511 = arith.constant 0 : i32
      %dma_wait3A_512 = arith.constant 0 : i32
      %dma_wait3A_513 = tpu.memref_slice %arg6[%dma_wait3A_503, %dma_wait3A_511, %dma_wait3A_512] : memref<16x32x128xf32, #tpu.memory_space<vmem>> -> memref<1x32x128xf32, #tpu.memory_space<vmem>>
      %dma_wait3A_514 = tpu.memref_squeeze %dma_wait3A_513 : memref<1x32x128xf32, #tpu.memory_space<vmem>> -> memref<32x128xf32, #tpu.memory_space<vmem>>
      %dma_wait3A_515 = arith.constant 0 : i32
      %dma_wait3A_516 = arith.constant 0 : i32
      %dma_wait3A_517 = tpu.memref_slice %arg2[%dma_wait3A_515, %dma_wait3A_516] : memref<32x1000000xf32, #tpu.memory_space<hbm>> -> memref<32x128xf32, #tpu.memory_space<hbm>>
      tpu.wait_dma2 semaphore(%arg8 : memref<!tpu.dma_semaphore, #tpu.memory_space<semaphore_mem>>) src(%dma_wait3A_517 : memref<32x128xf32, #tpu.memory_space<hbm>>) dst(%dma_wait3A_514 : memref<32x128xf32, #tpu.memory_space<vmem>>)
      %dma_wait3A_518 = arith.constant 0 : i32
      %dma_wait3A_519 = arith.constant 0 : i32
      %dma_wait3A_520 = arith.constant 0 : i32
      %dma_wait3A_521 = tpu.memref_slice %arg6[%dma_wait3A_518, %dma_wait3A_519, %dma_wait3A_520] : memref<16x32x128xf32, #tpu.memory_space<vmem>> -> memref<1x32x128xf32, #tpu.memory_space<vmem>>
      %dma_wait3A_522 = tpu.memref_squeeze %dma_wait3A_521 : memref<1x32x128xf32, #tpu.memory_space<vmem>> -> memref<32x128xf32, #tpu.memory_space<vmem>>
      %dma_wait3A_523 = arith.constant 0 : i32
      %dma_wait3A_524 = arith.constant 0 : i32
      %dma_wait3A_525 = tpu.memref_slice %arg2[%dma_wait3A_523, %dma_wait3A_524] : memref<32x1000000xf32, #tpu.memory_space<hbm>> -> memref<32x128xf32, #tpu.memory_space<hbm>>
      %dma_wait3A_526 = arith.constant 0 : i32
      %dma_wait3A_527 = arith.constant 0 : i32
      %dma_wait3A_528 = tpu.memref_slice %arg6[%dma_wait3A_518, %dma_wait3A_526, %dma_wait3A_527] : memref<16x32x128xf32, #tpu.memory_space<vmem>> -> memref<1x32x128xf32, #tpu.memory_space<vmem>>
      %dma_wait3A_529 = tpu.memref_squeeze %dma_wait3A_528 : memref<1x32x128xf32, #tpu.memory_space<vmem>> -> memref<32x128xf32, #tpu.memory_space<vmem>>
      %dma_wait3A_530 = arith.constant 0 : i32
      %dma_wait3A_531 = arith.constant 0 : i32
      %dma_wait3A_532 = tpu.memref_slice %arg2[%dma_wait3A_530, %dma_wait3A_531] : memref<32x1000000xf32, #tpu.memory_space<hbm>> -> memref<32x128xf32, #tpu.memory_space<hbm>>
      tpu.wait_dma2 semaphore(%arg8 : memref<!tpu.dma_semaphore, #tpu.memory_space<semaphore_mem>>) src(%dma_wait3A_532 : memref<32x128xf32, #tpu.memory_space<hbm>>) dst(%dma_wait3A_529 : memref<32x128xf32, #tpu.memory_space<vmem>>)
      %dma_wait3A_533 = arith.constant 0 : i32
      %dma_wait3A_534 = arith.constant 0 : i32
      %dma_wait3A_535 = arith.constant 0 : i32
      %dma_wait3A_536 = tpu.memref_slice %arg6[%dma_wait3A_533, %dma_wait3A_534, %dma_wait3A_535] : memref<16x32x128xf32, #tpu.memory_space<vmem>> -> memref<1x32x128xf32, #tpu.memory_space<vmem>>
      %dma_wait3A_537 = tpu.memref_squeeze %dma_wait3A_536 : memref<1x32x128xf32, #tpu.memory_space<vmem>> -> memref<32x128xf32, #tpu.memory_space<vmem>>
      %dma_wait3A_538 = arith.constant 0 : i32
      %dma_wait3A_539 = arith.constant 0 : i32
      %dma_wait3A_540 = tpu.memref_slice %arg2[%dma_wait3A_538, %dma_wait3A_539] : memref<32x1000000xf32, #tpu.memory_space<hbm>> -> memref<32x128xf32, #tpu.memory_space<hbm>>
      %dma_wait3A_541 = arith.constant 0 : i32
      %dma_wait3A_542 = arith.constant 0 : i32
      %dma_wait3A_543 = tpu.memref_slice %arg6[%dma_wait3A_533, %dma_wait3A_541, %dma_wait3A_542] : memref<16x32x128xf32, #tpu.memory_space<vmem>> -> memref<1x32x128xf32, #tpu.memory_space<vmem>>
      %dma_wait3A_544 = tpu.memref_squeeze %dma_wait3A_543 : memref<1x32x128xf32, #tpu.memory_space<vmem>> -> memref<32x128xf32, #tpu.memory_space<vmem>>
      %dma_wait3A_545 = arith.constant 0 : i32
      %dma_wait3A_546 = arith.constant 0 : i32
      %dma_wait3A_547 = tpu.memref_slice %arg2[%dma_wait3A_545, %dma_wait3A_546] : memref<32x1000000xf32, #tpu.memory_space<hbm>> -> memref<32x128xf32, #tpu.memory_space<hbm>>
      tpu.wait_dma2 semaphore(%arg8 : memref<!tpu.dma_semaphore, #tpu.memory_space<semaphore_mem>>) src(%dma_wait3A_547 : memref<32x128xf32, #tpu.memory_space<hbm>>) dst(%dma_wait3A_544 : memref<32x128xf32, #tpu.memory_space<vmem>>)
      %dma_wait3A_548 = arith.constant 0 : i32
      %dma_wait3A_549 = arith.constant 0 : i32
      %dma_wait3A_550 = arith.constant 0 : i32
      %dma_wait3A_551 = tpu.memref_slice %arg6[%dma_wait3A_548, %dma_wait3A_549, %dma_wait3A_550] : memref<16x32x128xf32, #tpu.memory_space<vmem>> -> memref<1x32x128xf32, #tpu.memory_space<vmem>>
      %dma_wait3A_552 = tpu.memref_squeeze %dma_wait3A_551 : memref<1x32x128xf32, #tpu.memory_space<vmem>> -> memref<32x128xf32, #tpu.memory_space<vmem>>
      %dma_wait3A_553 = arith.constant 0 : i32
      %dma_wait3A_554 = arith.constant 0 : i32
      %dma_wait3A_555 = tpu.memref_slice %arg2[%dma_wait3A_553, %dma_wait3A_554] : memref<32x1000000xf32, #tpu.memory_space<hbm>> -> memref<32x128xf32, #tpu.memory_space<hbm>>
      %dma_wait3A_556 = arith.constant 0 : i32
      %dma_wait3A_557 = arith.constant 0 : i32
      %dma_wait3A_558 = tpu.memref_slice %arg6[%dma_wait3A_548, %dma_wait3A_556, %dma_wait3A_557] : memref<16x32x128xf32, #tpu.memory_space<vmem>> -> memref<1x32x128xf32, #tpu.memory_space<vmem>>
      %dma_wait3A_559 = tpu.memref_squeeze %dma_wait3A_558 : memref<1x32x128xf32, #tpu.memory_space<vmem>> -> memref<32x128xf32, #tpu.memory_space<vmem>>
      %dma_wait3A_560 = arith.constant 0 : i32
      %dma_wait3A_561 = arith.constant 0 : i32
      %dma_wait3A_562 = tpu.memref_slice %arg2[%dma_wait3A_560, %dma_wait3A_561] : memref<32x1000000xf32, #tpu.memory_space<hbm>> -> memref<32x128xf32, #tpu.memory_space<hbm>>
      tpu.wait_dma2 semaphore(%arg8 : memref<!tpu.dma_semaphore, #tpu.memory_space<semaphore_mem>>) src(%dma_wait3A_562 : memref<32x128xf32, #tpu.memory_space<hbm>>) dst(%dma_wait3A_559 : memref<32x128xf32, #tpu.memory_space<vmem>>)
      %and3A = arith.constant 127 : i32
      %and3A_563 = arith.andi %squeeze3A, %and3A : i32
      %add3A_564 = vector.broadcast %and3A_563 : i32 to vector<16xi32>
      %add3A_565 = arith.addi %mul3A_5, %add3A_564 : vector<16xi32>
      %add3A_566 = arith.constant 0 : i32
      %add3A_567 = arith.addi %mul3A_22, %add3A_566 : i32
      %add3A_568 = vector.broadcast %add3A_567 : i32 to vector<16xi32>
      %add3A_569 = arith.addi %mul3A_5, %add3A_568 : vector<16xi32>
      %gather3A = arith.constant 0 : i32
      %gather3A_570 = arith.constant 0 : i32
      %gather3A_571 = arith.constant 0 : i32
      %gather3A_572 = tpu.memref_slice %arg6[%gather3A, %gather3A_570, %gather3A_571] : memref<16x32x128xf32, #tpu.memory_space<vmem>> -> memref<1x32x128xf32, #tpu.memory_space<vmem>>
      %gather3A_573 = tpu.memref_squeeze %gather3A_572 : memref<1x32x128xf32, #tpu.memory_space<vmem>> -> memref<32x128xf32, #tpu.memory_space<vmem>>
      %gather3A_574 = tpu.vector_load_idx %gather3A_573[%add3A_8, %add3A_565] : memref<32x128xf32, #tpu.memory_space<vmem>>[vector<16xi32>, vector<16xi32>], vector<16xf32>,
      tpu.vector_store_idx %arg7[%add3A_8, %add3A_569], %gather3A_574 : memref<32x512xf32, #tpu.memory_space<vmem>>[vector<16xi32>, vector<16xi32>], vector<16xf32>,
      %gather3A_575 = arith.constant 0 : i32
      %gather3A_576 = arith.constant 0 : i32
      %gather3A_577 = arith.constant 0 : i32
      %gather3A_578 = tpu.memref_slice %arg6[%gather3A_575, %gather3A_576, %gather3A_577] : memref<16x32x128xf32, #tpu.memory_space<vmem>> -> memref<1x32x128xf32, #tpu.memory_space<vmem>>
      %gather3A_579 = tpu.memref_squeeze %gather3A_578 : memref<1x32x128xf32, #tpu.memory_space<vmem>> -> memref<32x128xf32, #tpu.memory_space<vmem>>
      %gather3A_580 = tpu.vector_load_idx %gather3A_579[%add3A_11, %add3A_565] : memref<32x128xf32, #tpu.memory_space<vmem>>[vector<16xi32>, vector<16xi32>], vector<16xf32>,
      tpu.vector_store_idx %arg7[%add3A_11, %add3A_569], %gather3A_580 : memref<32x512xf32, #tpu.memory_space<vmem>>[vector<16xi32>, vector<16xi32>], vector<16xf32>,
      %and3A_581 = arith.constant 127 : i32
      %and3A_582 = arith.andi %squeeze3A_25, %and3A_581 : i32
      %add3A_583 = vector.broadcast %and3A_582 : i32 to vector<16xi32>
      %add3A_584 = arith.addi %mul3A_5, %add3A_583 : vector<16xi32>
      %add3A_585 = arith.constant 1 : i32
      %add3A_586 = arith.addi %mul3A_22, %add3A_585 : i32
      %add3A_587 = vector.broadcast %add3A_586 : i32 to vector<16xi32>
      %add3A_588 = arith.addi %mul3A_5, %add3A_587 : vector<16xi32>
      %gather3A_589 = arith.constant 1 : i32
      %gather3A_590 = arith.constant 0 : i32
      %gather3A_591 = arith.constant 0 : i32
      %gather3A_592 = tpu.memref_slice %arg6[%gather3A_589, %gather3A_590, %gather3A_591] : memref<16x32x128xf32, #tpu.memory_space<vmem>> -> memref<1x32x128xf32, #tpu.memory_space<vmem>>
      %gather3A_593 = tpu.memref_squeeze %gather3A_592 : memref<1x32x128xf32, #tpu.memory_space<vmem>> -> memref<32x128xf32, #tpu.memory_space<vmem>>
      %gather3A_594 = tpu.vector_load_idx %gather3A_593[%add3A_8, %add3A_584] : memref<32x128xf32, #tpu.memory_space<vmem>>[vector<16xi32>, vector<16xi32>], vector<16xf32>,
      tpu.vector_store_idx %arg7[%add3A_8, %add3A_588], %gather3A_594 : memref<32x512xf32, #tpu.memory_space<vmem>>[vector<16xi32>, vector<16xi32>], vector<16xf32>,
      %gather3A_595 = arith.constant 1 : i32
      %gather3A_596 = arith.constant 0 : i32
      %gather3A_597 = arith.constant 0 : i32
      %gather3A_598 = tpu.memref_slice %arg6[%gather3A_595, %gather3A_596, %gather3A_597] : memref<16x32x128xf32, #tpu.memory_space<vmem>> -> memref<1x32x128xf32, #tpu.memory_space<vmem>>
      %gather3A_599 = tpu.memref_squeeze %gather3A_598 : memref<1x32x128xf32, #tpu.memory_space<vmem>> -> memref<32x128xf32, #tpu.memory_space<vmem>>
      %gather3A_600 = tpu.vector_load_idx %gather3A_599[%add3A_11, %add3A_584] : memref<32x128xf32, #tpu.memory_space<vmem>>[vector<16xi32>, vector<16xi32>], vector<16xf32>,
      tpu.vector_store_idx %arg7[%add3A_11, %add3A_588], %gather3A_600 : memref<32x512xf32, #tpu.memory_space<vmem>>[vector<16xi32>, vector<16xi32>], vector<16xf32>,
      %and3A_601 = arith.constant 127 : i32
      %and3A_602 = arith.andi %squeeze3A_27, %and3A_601 : i32
      %add3A_603 = vector.broadcast %and3A_602 : i32 to vector<16xi32>
      %add3A_604 = arith.addi %mul3A_5, %add3A_603 : vector<16xi32>
      %add3A_605 = arith.constant 2 : i32
      %add3A_606 = arith.addi %mul3A_22, %add3A_605 : i32
      %add3A_607 = vector.broadcast %add3A_606 : i32 to vector<16xi32>
      %add3A_608 = arith.addi %mul3A_5, %add3A_607 : vector<16xi32>
      %gather3A_609 = arith.constant 2 : i32
      %gather3A_610 = arith.constant 0 : i32
      %gather3A_611 = arith.constant 0 : i32
      %gather3A_612 = tpu.memref_slice %arg6[%gather3A_609, %gather3A_610, %gather3A_611] : memref<16x32x128xf32, #tpu.memory_space<vmem>> -> memref<1x32x128xf32, #tpu.memory_space<vmem>>
      %gather3A_613 = tpu.memref_squeeze %gather3A_612 : memref<1x32x128xf32, #tpu.memory_space<vmem>> -> memref<32x128xf32, #tpu.memory_space<vmem>>
      %gather3A_614 = tpu.vector_load_idx %gather3A_613[%add3A_8, %add3A_604] : memref<32x128xf32, #tpu.memory_space<vmem>>[vector<16xi32>, vector<16xi32>], vector<16xf32>,
      tpu.vector_store_idx %arg7[%add3A_8, %add3A_608], %gather3A_614 : memref<32x512xf32, #tpu.memory_space<vmem>>[vector<16xi32>, vector<16xi32>], vector<16xf32>,
      %gather3A_615 = arith.constant 2 : i32
      %gather3A_616 = arith.constant 0 : i32
      %gather3A_617 = arith.constant 0 : i32
      %gather3A_618 = tpu.memref_slice %arg6[%gather3A_615, %gather3A_616, %gather3A_617] : memref<16x32x128xf32, #tpu.memory_space<vmem>> -> memref<1x32x128xf32, #tpu.memory_space<vmem>>
      %gather3A_619 = tpu.memref_squeeze %gather3A_618 : memref<1x32x128xf32, #tpu.memory_space<vmem>> -> memref<32x128xf32, #tpu.memory_space<vmem>>
      %gather3A_620 = tpu.vector_load_idx %gather3A_619[%add3A_11, %add3A_604] : memref<32x128xf32, #tpu.memory_space<vmem>>[vector<16xi32>, vector<16xi32>], vector<16xf32>,
      tpu.vector_store_idx %arg7[%add3A_11, %add3A_608], %gather3A_620 : memref<32x512xf32, #tpu.memory_space<vmem>>[vector<16xi32>, vector<16xi32>], vector<16xf32>,
      %and3A_621 = arith.constant 127 : i32
      %and3A_622 = arith.andi %squeeze3A_29, %and3A_621 : i32
      %add3A_623 = vector.broadcast %and3A_622 : i32 to vector<16xi32>
      %add3A_624 = arith.addi %mul3A_5, %add3A_623 : vector<16xi32>
      %add3A_625 = arith.constant 3 : i32
      %add3A_626 = arith.addi %mul3A_22, %add3A_625 : i32
      %add3A_627 = vector.broadcast %add3A_626 : i32 to vector<16xi32>
      %add3A_628 = arith.addi %mul3A_5, %add3A_627 : vector<16xi32>
      %gather3A_629 = arith.constant 3 : i32
      %gather3A_630 = arith.constant 0 : i32
      %gather3A_631 = arith.constant 0 : i32
      %gather3A_632 = tpu.memref_slice %arg6[%gather3A_629, %gather3A_630, %gather3A_631] : memref<16x32x128xf32, #tpu.memory_space<vmem>> -> memref<1x32x128xf32, #tpu.memory_space<vmem>>
      %gather3A_633 = tpu.memref_squeeze %gather3A_632 : memref<1x32x128xf32, #tpu.memory_space<vmem>> -> memref<32x128xf32, #tpu.memory_space<vmem>>
      %gather3A_634 = tpu.vector_load_idx %gather3A_633[%add3A_8, %add3A_624] : memref<32x128xf32, #tpu.memory_space<vmem>>[vector<16xi32>, vector<16xi32>], vector<16xf32>,
      tpu.vector_store_idx %arg7[%add3A_8, %add3A_628], %gather3A_634 : memref<32x512xf32, #tpu.memory_space<vmem>>[vector<16xi32>, vector<16xi32>], vector<16xf32>,
      %gather3A_635 = arith.constant 3 : i32
      %gather3A_636 = arith.constant 0 : i32
      %gather3A_637 = arith.constant 0 : i32
      %gather3A_638 = tpu.memref_slice %arg6[%gather3A_635, %gather3A_636, %gather3A_637] : memref<16x32x128xf32, #tpu.memory_space<vmem>> -> memref<1x32x128xf32, #tpu.memory_space<vmem>>
      %gather3A_639 = tpu.memref_squeeze %gather3A_638 : memref<1x32x128xf32, #tpu.memory_space<vmem>> -> memref<32x128xf32, #tpu.memory_space<vmem>>
      %gather3A_640 = tpu.vector_load_idx %gather3A_639[%add3A_11, %add3A_624] : memref<32x128xf32, #tpu.memory_space<vmem>>[vector<16xi32>, vector<16xi32>], vector<16xf32>,
      tpu.vector_store_idx %arg7[%add3A_11, %add3A_628], %gather3A_640 : memref<32x512xf32, #tpu.memory_space<vmem>>[vector<16xi32>, vector<16xi32>], vector<16xf32>,
      %and3A_641 = arith.constant 127 : i32
      %and3A_642 = arith.andi %squeeze3A_31, %and3A_641 : i32
      %add3A_643 = vector.broadcast %and3A_642 : i32 to vector<16xi32>
      %add3A_644 = arith.addi %mul3A_5, %add3A_643 : vector<16xi32>
      %add3A_645 = arith.constant 4 : i32
      %add3A_646 = arith.addi %mul3A_22, %add3A_645 : i32
      %add3A_647 = vector.broadcast %add3A_646 : i32 to vector<16xi32>
      %add3A_648 = arith.addi %mul3A_5, %add3A_647 : vector<16xi32>
      %gather3A_649 = arith.constant 4 : i32
      %gather3A_650 = arith.constant 0 : i32
      %gather3A_651 = arith.constant 0 : i32
      %gather3A_652 = tpu.memref_slice %arg6[%gather3A_649, %gather3A_650, %gather3A_651] : memref<16x32x128xf32, #tpu.memory_space<vmem>> -> memref<1x32x128xf32, #tpu.memory_space<vmem>>
      %gather3A_653 = tpu.memref_squeeze %gather3A_652 : memref<1x32x128xf32, #tpu.memory_space<vmem>> -> memref<32x128xf32, #tpu.memory_space<vmem>>
      %gather3A_654 = tpu.vector_load_idx %gather3A_653[%add3A_8, %add3A_644] : memref<32x128xf32, #tpu.memory_space<vmem>>[vector<16xi32>, vector<16xi32>], vector<16xf32>,
      tpu.vector_store_idx %arg7[%add3A_8, %add3A_648], %gather3A_654 : memref<32x512xf32, #tpu.memory_space<vmem>>[vector<16xi32>, vector<16xi32>], vector<16xf32>,
      %gather3A_655 = arith.constant 4 : i32
      %gather3A_656 = arith.constant 0 : i32
      %gather3A_657 = arith.constant 0 : i32
      %gather3A_658 = tpu.memref_slice %arg6[%gather3A_655, %gather3A_656, %gather3A_657] : memref<16x32x128xf32, #tpu.memory_space<vmem>> -> memref<1x32x128xf32, #tpu.memory_space<vmem>>
      %gather3A_659 = tpu.memref_squeeze %gather3A_658 : memref<1x32x128xf32, #tpu.memory_space<vmem>> -> memref<32x128xf32, #tpu.memory_space<vmem>>
      %gather3A_660 = tpu.vector_load_idx %gather3A_659[%add3A_11, %add3A_644] : memref<32x128xf32, #tpu.memory_space<vmem>>[vector<16xi32>, vector<16xi32>], vector<16xf32>,
      tpu.vector_store_idx %arg7[%add3A_11, %add3A_648], %gather3A_660 : memref<32x512xf32, #tpu.memory_space<vmem>>[vector<16xi32>, vector<16xi32>], vector<16xf32>,
      %and3A_661 = arith.constant 127 : i32
      %and3A_662 = arith.andi %squeeze3A_33, %and3A_661 : i32
      %add3A_663 = vector.broadcast %and3A_662 : i32 to vector<16xi32>
      %add3A_664 = arith.addi %mul3A_5, %add3A_663 : vector<16xi32>
      %add3A_665 = arith.constant 5 : i32
      %add3A_666 = arith.addi %mul3A_22, %add3A_665 : i32
      %add3A_667 = vector.broadcast %add3A_666 : i32 to vector<16xi32>
      %add3A_668 = arith.addi %mul3A_5, %add3A_667 : vector<16xi32>
      %gather3A_669 = arith.constant 5 : i32
      %gather3A_670 = arith.constant 0 : i32
      %gather3A_671 = arith.constant 0 : i32
      %gather3A_672 = tpu.memref_slice %arg6[%gather3A_669, %gather3A_670, %gather3A_671] : memref<16x32x128xf32, #tpu.memory_space<vmem>> -> memref<1x32x128xf32, #tpu.memory_space<vmem>>
      %gather3A_673 = tpu.memref_squeeze %gather3A_672 : memref<1x32x128xf32, #tpu.memory_space<vmem>> -> memref<32x128xf32, #tpu.memory_space<vmem>>
      %gather3A_674 = tpu.vector_load_idx %gather3A_673[%add3A_8, %add3A_664] : memref<32x128xf32, #tpu.memory_space<vmem>>[vector<16xi32>, vector<16xi32>], vector<16xf32>,
      tpu.vector_store_idx %arg7[%add3A_8, %add3A_668], %gather3A_674 : memref<32x512xf32, #tpu.memory_space<vmem>>[vector<16xi32>, vector<16xi32>], vector<16xf32>,
      %gather3A_675 = arith.constant 5 : i32
      %gather3A_676 = arith.constant 0 : i32
      %gather3A_677 = arith.constant 0 : i32
      %gather3A_678 = tpu.memref_slice %arg6[%gather3A_675, %gather3A_676, %gather3A_677] : memref<16x32x128xf32, #tpu.memory_space<vmem>> -> memref<1x32x128xf32, #tpu.memory_space<vmem>>
      %gather3A_679 = tpu.memref_squeeze %gather3A_678 : memref<1x32x128xf32, #tpu.memory_space<vmem>> -> memref<32x128xf32, #tpu.memory_space<vmem>>
      %gather3A_680 = tpu.vector_load_idx %gather3A_679[%add3A_11, %add3A_664] : memref<32x128xf32, #tpu.memory_space<vmem>>[vector<16xi32>, vector<16xi32>], vector<16xf32>,
      tpu.vector_store_idx %arg7[%add3A_11, %add3A_668], %gather3A_680 : memref<32x512xf32, #tpu.memory_space<vmem>>[vector<16xi32>, vector<16xi32>], vector<16xf32>,
      %and3A_681 = arith.constant 127 : i32
      %and3A_682 = arith.andi %squeeze3A_35, %and3A_681 : i32
      %add3A_683 = vector.broadcast %and3A_682 : i32 to vector<16xi32>
      %add3A_684 = arith.addi %mul3A_5, %add3A_683 : vector<16xi32>
      %add3A_685 = arith.constant 6 : i32
      %add3A_686 = arith.addi %mul3A_22, %add3A_685 : i32
      %add3A_687 = vector.broadcast %add3A_686 : i32 to vector<16xi32>
      %add3A_688 = arith.addi %mul3A_5, %add3A_687 : vector<16xi32>
      %gather3A_689 = arith.constant 6 : i32
      %gather3A_690 = arith.constant 0 : i32
      %gather3A_691 = arith.constant 0 : i32
      %gather3A_692 = tpu.memref_slice %arg6[%gather3A_689, %gather3A_690, %gather3A_691] : memref<16x32x128xf32, #tpu.memory_space<vmem>> -> memref<1x32x128xf32, #tpu.memory_space<vmem>>
      %gather3A_693 = tpu.memref_squeeze %gather3A_692 : memref<1x32x128xf32, #tpu.memory_space<vmem>> -> memref<32x128xf32, #tpu.memory_space<vmem>>
      %gather3A_694 = tpu.vector_load_idx %gather3A_693[%add3A_8, %add3A_684] : memref<32x128xf32, #tpu.memory_space<vmem>>[vector<16xi32>, vector<16xi32>], vector<16xf32>,
      tpu.vector_store_idx %arg7[%add3A_8, %add3A_688], %gather3A_694 : memref<32x512xf32, #tpu.memory_space<vmem>>[vector<16xi32>, vector<16xi32>], vector<16xf32>,
      %gather3A_695 = arith.constant 6 : i32
      %gather3A_696 = arith.constant 0 : i32
      %gather3A_697 = arith.constant 0 : i32
      %gather3A_698 = tpu.memref_slice %arg6[%gather3A_695, %gather3A_696, %gather3A_697] : memref<16x32x128xf32, #tpu.memory_space<vmem>> -> memref<1x32x128xf32, #tpu.memory_space<vmem>>
      %gather3A_699 = tpu.memref_squeeze %gather3A_698 : memref<1x32x128xf32, #tpu.memory_space<vmem>> -> memref<32x128xf32, #tpu.memory_space<vmem>>
      %gather3A_700 = tpu.vector_load_idx %gather3A_699[%add3A_11, %add3A_684] : memref<32x128xf32, #tpu.memory_space<vmem>>[vector<16xi32>, vector<16xi32>], vector<16xf32>,
      tpu.vector_store_idx %arg7[%add3A_11, %add3A_688], %gather3A_700 : memref<32x512xf32, #tpu.memory_space<vmem>>[vector<16xi32>, vector<16xi32>], vector<16xf32>,
      %and3A_701 = arith.constant 127 : i32
      %and3A_702 = arith.andi %squeeze3A_37, %and3A_701 : i32
      %add3A_703 = vector.broadcast %and3A_702 : i32 to vector<16xi32>
      %add3A_704 = arith.addi %mul3A_5, %add3A_703 : vector<16xi32>
      %add3A_705 = arith.constant 7 : i32
      %add3A_706 = arith.addi %mul3A_22, %add3A_705 : i32
      %add3A_707 = vector.broadcast %add3A_706 : i32 to vector<16xi32>
      %add3A_708 = arith.addi %mul3A_5, %add3A_707 : vector<16xi32>
      %gather3A_709 = arith.constant 7 : i32
      %gather3A_710 = arith.constant 0 : i32
      %gather3A_711 = arith.constant 0 : i32
      %gather3A_712 = tpu.memref_slice %arg6[%gather3A_709, %gather3A_710, %gather3A_711] : memref<16x32x128xf32, #tpu.memory_space<vmem>> -> memref<1x32x128xf32, #tpu.memory_space<vmem>>
      %gather3A_713 = tpu.memref_squeeze %gather3A_712 : memref<1x32x128xf32, #tpu.memory_space<vmem>> -> memref<32x128xf32, #tpu.memory_space<vmem>>
      %gather3A_714 = tpu.vector_load_idx %gather3A_713[%add3A_8, %add3A_704] : memref<32x128xf32, #tpu.memory_space<vmem>>[vector<16xi32>, vector<16xi32>], vector<16xf32>,
      tpu.vector_store_idx %arg7[%add3A_8, %add3A_708], %gather3A_714 : memref<32x512xf32, #tpu.memory_space<vmem>>[vector<16xi32>, vector<16xi32>], vector<16xf32>,
      %gather3A_715 = arith.constant 7 : i32
      %gather3A_716 = arith.constant 0 : i32
      %gather3A_717 = arith.constant 0 : i32
      %gather3A_718 = tpu.memref_slice %arg6[%gather3A_715, %gather3A_716, %gather3A_717] : memref<16x32x128xf32, #tpu.memory_space<vmem>> -> memref<1x32x128xf32, #tpu.memory_space<vmem>>
      %gather3A_719 = tpu.memref_squeeze %gather3A_718 : memref<1x32x128xf32, #tpu.memory_space<vmem>> -> memref<32x128xf32, #tpu.memory_space<vmem>>
      %gather3A_720 = tpu.vector_load_idx %gather3A_719[%add3A_11, %add3A_704] : memref<32x128xf32, #tpu.memory_space<vmem>>[vector<16xi32>, vector<16xi32>], vector<16xf32>,
      tpu.vector_store_idx %arg7[%add3A_11, %add3A_708], %gather3A_720 : memref<32x512xf32, #tpu.memory_space<vmem>>[vector<16xi32>, vector<16xi32>], vector<16xf32>,
      %and3A_721 = arith.constant 127 : i32
      %and3A_722 = arith.andi %squeeze3A_39, %and3A_721 : i32
      %add3A_723 = vector.broadcast %and3A_722 : i32 to vector<16xi32>
      %add3A_724 = arith.addi %mul3A_5, %add3A_723 : vector<16xi32>
      %add3A_725 = arith.constant 8 : i32
      %add3A_726 = arith.addi %mul3A_22, %add3A_725 : i32
      %add3A_727 = vector.broadcast %add3A_726 : i32 to vector<16xi32>
      %add3A_728 = arith.addi %mul3A_5, %add3A_727 : vector<16xi32>
      %gather3A_729 = arith.constant 8 : i32
      %gather3A_730 = arith.constant 0 : i32
      %gather3A_731 = arith.constant 0 : i32
      %gather3A_732 = tpu.memref_slice %arg6[%gather3A_729, %gather3A_730, %gather3A_731] : memref<16x32x128xf32, #tpu.memory_space<vmem>> -> memref<1x32x128xf32, #tpu.memory_space<vmem>>
      %gather3A_733 = tpu.memref_squeeze %gather3A_732 : memref<1x32x128xf32, #tpu.memory_space<vmem>> -> memref<32x128xf32, #tpu.memory_space<vmem>>
      %gather3A_734 = tpu.vector_load_idx %gather3A_733[%add3A_8, %add3A_724] : memref<32x128xf32, #tpu.memory_space<vmem>>[vector<16xi32>, vector<16xi32>], vector<16xf32>,
      tpu.vector_store_idx %arg7[%add3A_8, %add3A_728], %gather3A_734 : memref<32x512xf32, #tpu.memory_space<vmem>>[vector<16xi32>, vector<16xi32>], vector<16xf32>,
      %gather3A_735 = arith.constant 8 : i32
      %gather3A_736 = arith.constant 0 : i32
      %gather3A_737 = arith.constant 0 : i32
      %gather3A_738 = tpu.memref_slice %arg6[%gather3A_735, %gather3A_736, %gather3A_737] : memref<16x32x128xf32, #tpu.memory_space<vmem>> -> memref<1x32x128xf32, #tpu.memory_space<vmem>>
      %gather3A_739 = tpu.memref_squeeze %gather3A_738 : memref<1x32x128xf32, #tpu.memory_space<vmem>> -> memref<32x128xf32, #tpu.memory_space<vmem>>
      %gather3A_740 = tpu.vector_load_idx %gather3A_739[%add3A_11, %add3A_724] : memref<32x128xf32, #tpu.memory_space<vmem>>[vector<16xi32>, vector<16xi32>], vector<16xf32>,
      tpu.vector_store_idx %arg7[%add3A_11, %add3A_728], %gather3A_740 : memref<32x512xf32, #tpu.memory_space<vmem>>[vector<16xi32>, vector<16xi32>], vector<16xf32>,
      %and3A_741 = arith.constant 127 : i32
      %and3A_742 = arith.andi %squeeze3A_41, %and3A_741 : i32
      %add3A_743 = vector.broadcast %and3A_742 : i32 to vector<16xi32>
      %add3A_744 = arith.addi %mul3A_5, %add3A_743 : vector<16xi32>
      %add3A_745 = arith.constant 9 : i32
      %add3A_746 = arith.addi %mul3A_22, %add3A_745 : i32
      %add3A_747 = vector.broadcast %add3A_746 : i32 to vector<16xi32>
      %add3A_748 = arith.addi %mul3A_5, %add3A_747 : vector<16xi32>
      %gather3A_749 = arith.constant 9 : i32
      %gather3A_750 = arith.constant 0 : i32
      %gather3A_751 = arith.constant 0 : i32
      %gather3A_752 = tpu.memref_slice %arg6[%gather3A_749, %gather3A_750, %gather3A_751] : memref<16x32x128xf32, #tpu.memory_space<vmem>> -> memref<1x32x128xf32, #tpu.memory_space<vmem>>
      %gather3A_753 = tpu.memref_squeeze %gather3A_752 : memref<1x32x128xf32, #tpu.memory_space<vmem>> -> memref<32x128xf32, #tpu.memory_space<vmem>>
      %gather3A_754 = tpu.vector_load_idx %gather3A_753[%add3A_8, %add3A_744] : memref<32x128xf32, #tpu.memory_space<vmem>>[vector<16xi32>, vector<16xi32>], vector<16xf32>,
      tpu.vector_store_idx %arg7[%add3A_8, %add3A_748], %gather3A_754 : memref<32x512xf32, #tpu.memory_space<vmem>>[vector<16xi32>, vector<16xi32>], vector<16xf32>,
      %gather3A_755 = arith.constant 9 : i32
      %gather3A_756 = arith.constant 0 : i32
      %gather3A_757 = arith.constant 0 : i32
      %gather3A_758 = tpu.memref_slice %arg6[%gather3A_755, %gather3A_756, %gather3A_757] : memref<16x32x128xf32, #tpu.memory_space<vmem>> -> memref<1x32x128xf32, #tpu.memory_space<vmem>>
      %gather3A_759 = tpu.memref_squeeze %gather3A_758 : memref<1x32x128xf32, #tpu.memory_space<vmem>> -> memref<32x128xf32, #tpu.memory_space<vmem>>
      %gather3A_760 = tpu.vector_load_idx %gather3A_759[%add3A_11, %add3A_744] : memref<32x128xf32, #tpu.memory_space<vmem>>[vector<16xi32>, vector<16xi32>], vector<16xf32>,
      tpu.vector_store_idx %arg7[%add3A_11, %add3A_748], %gather3A_760 : memref<32x512xf32, #tpu.memory_space<vmem>>[vector<16xi32>, vector<16xi32>], vector<16xf32>,
      %and3A_761 = arith.constant 127 : i32
      %and3A_762 = arith.andi %squeeze3A_43, %and3A_761 : i32
      %add3A_763 = vector.broadcast %and3A_762 : i32 to vector<16xi32>
      %add3A_764 = arith.addi %mul3A_5, %add3A_763 : vector<16xi32>
      %add3A_765 = arith.constant 10 : i32
      %add3A_766 = arith.addi %mul3A_22, %add3A_765 : i32
      %add3A_767 = vector.broadcast %add3A_766 : i32 to vector<16xi32>
      %add3A_768 = arith.addi %mul3A_5, %add3A_767 : vector<16xi32>
      %gather3A_769 = arith.constant 10 : i32
      %gather3A_770 = arith.constant 0 : i32
      %gather3A_771 = arith.constant 0 : i32
      %gather3A_772 = tpu.memref_slice %arg6[%gather3A_769, %gather3A_770, %gather3A_771] : memref<16x32x128xf32, #tpu.memory_space<vmem>> -> memref<1x32x128xf32, #tpu.memory_space<vmem>>
      %gather3A_773 = tpu.memref_squeeze %gather3A_772 : memref<1x32x128xf32, #tpu.memory_space<vmem>> -> memref<32x128xf32, #tpu.memory_space<vmem>>
      %gather3A_774 = tpu.vector_load_idx %gather3A_773[%add3A_8, %add3A_764] : memref<32x128xf32, #tpu.memory_space<vmem>>[vector<16xi32>, vector<16xi32>], vector<16xf32>,
      tpu.vector_store_idx %arg7[%add3A_8, %add3A_768], %gather3A_774 : memref<32x512xf32, #tpu.memory_space<vmem>>[vector<16xi32>, vector<16xi32>], vector<16xf32>,
      %gather3A_775 = arith.constant 10 : i32
      %gather3A_776 = arith.constant 0 : i32
      %gather3A_777 = arith.constant 0 : i32
      %gather3A_778 = tpu.memref_slice %arg6[%gather3A_775, %gather3A_776, %gather3A_777] : memref<16x32x128xf32, #tpu.memory_space<vmem>> -> memref<1x32x128xf32, #tpu.memory_space<vmem>>
      %gather3A_779 = tpu.memref_squeeze %gather3A_778 : memref<1x32x128xf32, #tpu.memory_space<vmem>> -> memref<32x128xf32, #tpu.memory_space<vmem>>
      %gather3A_780 = tpu.vector_load_idx %gather3A_779[%add3A_11, %add3A_764] : memref<32x128xf32, #tpu.memory_space<vmem>>[vector<16xi32>, vector<16xi32>], vector<16xf32>,
      tpu.vector_store_idx %arg7[%add3A_11, %add3A_768], %gather3A_780 : memref<32x512xf32, #tpu.memory_space<vmem>>[vector<16xi32>, vector<16xi32>], vector<16xf32>,
      %and3A_781 = arith.constant 127 : i32
      %and3A_782 = arith.andi %squeeze3A_45, %and3A_781 : i32
      %add3A_783 = vector.broadcast %and3A_782 : i32 to vector<16xi32>
      %add3A_784 = arith.addi %mul3A_5, %add3A_783 : vector<16xi32>
      %add3A_785 = arith.constant 11 : i32
      %add3A_786 = arith.addi %mul3A_22, %add3A_785 : i32
      %add3A_787 = vector.broadcast %add3A_786 : i32 to vector<16xi32>
      %add3A_788 = arith.addi %mul3A_5, %add3A_787 : vector<16xi32>
      %gather3A_789 = arith.constant 11 : i32
      %gather3A_790 = arith.constant 0 : i32
      %gather3A_791 = arith.constant 0 : i32
      %gather3A_792 = tpu.memref_slice %arg6[%gather3A_789, %gather3A_790, %gather3A_791] : memref<16x32x128xf32, #tpu.memory_space<vmem>> -> memref<1x32x128xf32, #tpu.memory_space<vmem>>
      %gather3A_793 = tpu.memref_squeeze %gather3A_792 : memref<1x32x128xf32, #tpu.memory_space<vmem>> -> memref<32x128xf32, #tpu.memory_space<vmem>>
      %gather3A_794 = tpu.vector_load_idx %gather3A_793[%add3A_8, %add3A_784] : memref<32x128xf32, #tpu.memory_space<vmem>>[vector<16xi32>, vector<16xi32>], vector<16xf32>,
      tpu.vector_store_idx %arg7[%add3A_8, %add3A_788], %gather3A_794 : memref<32x512xf32, #tpu.memory_space<vmem>>[vector<16xi32>, vector<16xi32>], vector<16xf32>,
      %gather3A_795 = arith.constant 11 : i32
      %gather3A_796 = arith.constant 0 : i32
      %gather3A_797 = arith.constant 0 : i32
      %gather3A_798 = tpu.memref_slice %arg6[%gather3A_795, %gather3A_796, %gather3A_797] : memref<16x32x128xf32, #tpu.memory_space<vmem>> -> memref<1x32x128xf32, #tpu.memory_space<vmem>>
      %gather3A_799 = tpu.memref_squeeze %gather3A_798 : memref<1x32x128xf32, #tpu.memory_space<vmem>> -> memref<32x128xf32, #tpu.memory_space<vmem>>
      %gather3A_800 = tpu.vector_load_idx %gather3A_799[%add3A_11, %add3A_784] : memref<32x128xf32, #tpu.memory_space<vmem>>[vector<16xi32>, vector<16xi32>], vector<16xf32>,
      tpu.vector_store_idx %arg7[%add3A_11, %add3A_788], %gather3A_800 : memref<32x512xf32, #tpu.memory_space<vmem>>[vector<16xi32>, vector<16xi32>], vector<16xf32>,
      %and3A_801 = arith.constant 127 : i32
      %and3A_802 = arith.andi %squeeze3A_47, %and3A_801 : i32
      %add3A_803 = vector.broadcast %and3A_802 : i32 to vector<16xi32>
      %add3A_804 = arith.addi %mul3A_5, %add3A_803 : vector<16xi32>
      %add3A_805 = arith.constant 12 : i32
      %add3A_806 = arith.addi %mul3A_22, %add3A_805 : i32
      %add3A_807 = vector.broadcast %add3A_806 : i32 to vector<16xi32>
      %add3A_808 = arith.addi %mul3A_5, %add3A_807 : vector<16xi32>
      %gather3A_809 = arith.constant 12 : i32
      %gather3A_810 = arith.constant 0 : i32
      %gather3A_811 = arith.constant 0 : i32
      %gather3A_812 = tpu.memref_slice %arg6[%gather3A_809, %gather3A_810, %gather3A_811] : memref<16x32x128xf32, #tpu.memory_space<vmem>> -> memref<1x32x128xf32, #tpu.memory_space<vmem>>
      %gather3A_813 = tpu.memref_squeeze %gather3A_812 : memref<1x32x128xf32, #tpu.memory_space<vmem>> -> memref<32x128xf32, #tpu.memory_space<vmem>>
      %gather3A_814 = tpu.vector_load_idx %gather3A_813[%add3A_8, %add3A_804] : memref<32x128xf32, #tpu.memory_space<vmem>>[vector<16xi32>, vector<16xi32>], vector<16xf32>,
      tpu.vector_store_idx %arg7[%add3A_8, %add3A_808], %gather3A_814 : memref<32x512xf32, #tpu.memory_space<vmem>>[vector<16xi32>, vector<16xi32>], vector<16xf32>,
      %gather3A_815 = arith.constant 12 : i32
      %gather3A_816 = arith.constant 0 : i32
      %gather3A_817 = arith.constant 0 : i32
      %gather3A_818 = tpu.memref_slice %arg6[%gather3A_815, %gather3A_816, %gather3A_817] : memref<16x32x128xf32, #tpu.memory_space<vmem>> -> memref<1x32x128xf32, #tpu.memory_space<vmem>>
      %gather3A_819 = tpu.memref_squeeze %gather3A_818 : memref<1x32x128xf32, #tpu.memory_space<vmem>> -> memref<32x128xf32, #tpu.memory_space<vmem>>
      %gather3A_820 = tpu.vector_load_idx %gather3A_819[%add3A_11, %add3A_804] : memref<32x128xf32, #tpu.memory_space<vmem>>[vector<16xi32>, vector<16xi32>], vector<16xf32>,
      tpu.vector_store_idx %arg7[%add3A_11, %add3A_808], %gather3A_820 : memref<32x512xf32, #tpu.memory_space<vmem>>[vector<16xi32>, vector<16xi32>], vector<16xf32>,
      %and3A_821 = arith.constant 127 : i32
      %and3A_822 = arith.andi %squeeze3A_49, %and3A_821 : i32
      %add3A_823 = vector.broadcast %and3A_822 : i32 to vector<16xi32>
      %add3A_824 = arith.addi %mul3A_5, %add3A_823 : vector<16xi32>
      %add3A_825 = arith.constant 13 : i32
      %add3A_826 = arith.addi %mul3A_22, %add3A_825 : i32
      %add3A_827 = vector.broadcast %add3A_826 : i32 to vector<16xi32>
      %add3A_828 = arith.addi %mul3A_5, %add3A_827 : vector<16xi32>
      %gather3A_829 = arith.constant 13 : i32
      %gather3A_830 = arith.constant 0 : i32
      %gather3A_831 = arith.constant 0 : i32
      %gather3A_832 = tpu.memref_slice %arg6[%gather3A_829, %gather3A_830, %gather3A_831] : memref<16x32x128xf32, #tpu.memory_space<vmem>> -> memref<1x32x128xf32, #tpu.memory_space<vmem>>
      %gather3A_833 = tpu.memref_squeeze %gather3A_832 : memref<1x32x128xf32, #tpu.memory_space<vmem>> -> memref<32x128xf32, #tpu.memory_space<vmem>>
      %gather3A_834 = tpu.vector_load_idx %gather3A_833[%add3A_8, %add3A_824] : memref<32x128xf32, #tpu.memory_space<vmem>>[vector<16xi32>, vector<16xi32>], vector<16xf32>,
      tpu.vector_store_idx %arg7[%add3A_8, %add3A_828], %gather3A_834 : memref<32x512xf32, #tpu.memory_space<vmem>>[vector<16xi32>, vector<16xi32>], vector<16xf32>,
      %gather3A_835 = arith.constant 13 : i32
      %gather3A_836 = arith.constant 0 : i32
      %gather3A_837 = arith.constant 0 : i32
      %gather3A_838 = tpu.memref_slice %arg6[%gather3A_835, %gather3A_836, %gather3A_837] : memref<16x32x128xf32, #tpu.memory_space<vmem>> -> memref<1x32x128xf32, #tpu.memory_space<vmem>>
      %gather3A_839 = tpu.memref_squeeze %gather3A_838 : memref<1x32x128xf32, #tpu.memory_space<vmem>> -> memref<32x128xf32, #tpu.memory_space<vmem>>
      %gather3A_840 = tpu.vector_load_idx %gather3A_839[%add3A_11, %add3A_824] : memref<32x128xf32, #tpu.memory_space<vmem>>[vector<16xi32>, vector<16xi32>], vector<16xf32>,
      tpu.vector_store_idx %arg7[%add3A_11, %add3A_828], %gather3A_840 : memref<32x512xf32, #tpu.memory_space<vmem>>[vector<16xi32>, vector<16xi32>], vector<16xf32>,
      %and3A_841 = arith.constant 127 : i32
      %and3A_842 = arith.andi %squeeze3A_51, %and3A_841 : i32
      %add3A_843 = vector.broadcast %and3A_842 : i32 to vector<16xi32>
      %add3A_844 = arith.addi %mul3A_5, %add3A_843 : vector<16xi32>
      %add3A_845 = arith.constant 14 : i32
      %add3A_846 = arith.addi %mul3A_22, %add3A_845 : i32
      %add3A_847 = vector.broadcast %add3A_846 : i32 to vector<16xi32>
      %add3A_848 = arith.addi %mul3A_5, %add3A_847 : vector<16xi32>
      %gather3A_849 = arith.constant 14 : i32
      %gather3A_850 = arith.constant 0 : i32
      %gather3A_851 = arith.constant 0 : i32
      %gather3A_852 = tpu.memref_slice %arg6[%gather3A_849, %gather3A_850, %gather3A_851] : memref<16x32x128xf32, #tpu.memory_space<vmem>> -> memref<1x32x128xf32, #tpu.memory_space<vmem>>
      %gather3A_853 = tpu.memref_squeeze %gather3A_852 : memref<1x32x128xf32, #tpu.memory_space<vmem>> -> memref<32x128xf32, #tpu.memory_space<vmem>>
      %gather3A_854 = tpu.vector_load_idx %gather3A_853[%add3A_8, %add3A_844] : memref<32x128xf32, #tpu.memory_space<vmem>>[vector<16xi32>, vector<16xi32>], vector<16xf32>,
      tpu.vector_store_idx %arg7[%add3A_8, %add3A_848], %gather3A_854 : memref<32x512xf32, #tpu.memory_space<vmem>>[vector<16xi32>, vector<16xi32>], vector<16xf32>,
      %gather3A_855 = arith.constant 14 : i32
      %gather3A_856 = arith.constant 0 : i32
      %gather3A_857 = arith.constant 0 : i32
      %gather3A_858 = tpu.memref_slice %arg6[%gather3A_855, %gather3A_856, %gather3A_857] : memref<16x32x128xf32, #tpu.memory_space<vmem>> -> memref<1x32x128xf32, #tpu.memory_space<vmem>>
      %gather3A_859 = tpu.memref_squeeze %gather3A_858 : memref<1x32x128xf32, #tpu.memory_space<vmem>> -> memref<32x128xf32, #tpu.memory_space<vmem>>
      %gather3A_860 = tpu.vector_load_idx %gather3A_859[%add3A_11, %add3A_844] : memref<32x128xf32, #tpu.memory_space<vmem>>[vector<16xi32>, vector<16xi32>], vector<16xf32>,
      tpu.vector_store_idx %arg7[%add3A_11, %add3A_848], %gather3A_860 : memref<32x512xf32, #tpu.memory_space<vmem>>[vector<16xi32>, vector<16xi32>], vector<16xf32>,
      %and3A_861 = arith.constant 127 : i32
      %and3A_862 = arith.andi %squeeze3A_53, %and3A_861 : i32
      %add3A_863 = vector.broadcast %and3A_862 : i32 to vector<16xi32>
      %add3A_864 = arith.addi %mul3A_5, %add3A_863 : vector<16xi32>
      %add3A_865 = arith.constant 15 : i32
      %add3A_866 = arith.addi %mul3A_22, %add3A_865 : i32
      %add3A_867 = vector.broadcast %add3A_866 : i32 to vector<16xi32>
      %add3A_868 = arith.addi %mul3A_5, %add3A_867 : vector<16xi32>
      %gather3A_869 = arith.constant 15 : i32
      %gather3A_870 = arith.constant 0 : i32
      %gather3A_871 = arith.constant 0 : i32
      %gather3A_872 = tpu.memref_slice %arg6[%gather3A_869, %gather3A_870, %gather3A_871] : memref<16x32x128xf32, #tpu.memory_space<vmem>> -> memref<1x32x128xf32, #tpu.memory_space<vmem>>
      %gather3A_873 = tpu.memref_squeeze %gather3A_872 : memref<1x32x128xf32, #tpu.memory_space<vmem>> -> memref<32x128xf32, #tpu.memory_space<vmem>>
      %gather3A_874 = tpu.vector_load_idx %gather3A_873[%add3A_8, %add3A_864] : memref<32x128xf32, #tpu.memory_space<vmem>>[vector<16xi32>, vector<16xi32>], vector<16xf32>,
      tpu.vector_store_idx %arg7[%add3A_8, %add3A_868], %gather3A_874 : memref<32x512xf32, #tpu.memory_space<vmem>>[vector<16xi32>, vector<16xi32>], vector<16xf32>,
      %gather3A_875 = arith.constant 15 : i32
      %gather3A_876 = arith.constant 0 : i32
      %gather3A_877 = arith.constant 0 : i32
      %gather3A_878 = tpu.memref_slice %arg6[%gather3A_875, %gather3A_876, %gather3A_877] : memref<16x32x128xf32, #tpu.memory_space<vmem>> -> memref<1x32x128xf32, #tpu.memory_space<vmem>>
      %gather3A_879 = tpu.memref_squeeze %gather3A_878 : memref<1x32x128xf32, #tpu.memory_space<vmem>> -> memref<32x128xf32, #tpu.memory_space<vmem>>
      %gather3A_880 = tpu.vector_load_idx %gather3A_879[%add3A_11, %add3A_864] : memref<32x128xf32, #tpu.memory_space<vmem>>[vector<16xi32>, vector<16xi32>], vector<16xf32>,
      tpu.vector_store_idx %arg7[%add3A_11, %add3A_868], %gather3A_880 : memref<32x512xf32, #tpu.memory_space<vmem>>[vector<16xi32>, vector<16xi32>], vector<16xf32>,
    }
    %scan3A_15 = arith.constant 32 : i32
    "tpu.region"() ({
      %run_scoped3A = tpu.sem_alloc : memref<!tpu.dma_semaphore, #tpu.memory_space<semaphore_mem>>
      %dma_start3A = arith.constant 0 : i32
      %dma_start3A_16 = tpu.memref_slice %arg4[%dma_start3A, %mul3A_2] : memref<32x16384xf32, #tpu.memory_space<hbm>> -> memref<32x512xf32, #tpu.memory_space<hbm>>
      %dma_start3A_17 = arith.constant 0 : i32
      %dma_start3A_18 = tpu.memref_slice %arg4[%dma_start3A_17, %mul3A_2] : memref<32x16384xf32, #tpu.memory_space<hbm>> -> memref<32x512xf32, #tpu.memory_space<hbm>>
      tpu.enqueue_dma source(%arg7 : memref<32x512xf32, #tpu.memory_space<vmem>>) target(%dma_start3A_18 : memref<32x512xf32, #tpu.memory_space<hbm>>) target_semaphore(%run_scoped3A : memref<!tpu.dma_semaphore, #tpu.memory_space<semaphore_mem>>)
      %dma_wait3A = arith.constant 0 : i32
      %dma_wait3A_19 = tpu.memref_slice %arg4[%dma_wait3A, %mul3A_2] : memref<32x16384xf32, #tpu.memory_space<hbm>> -> memref<32x512xf32, #tpu.memory_space<hbm>>
      %dma_wait3A_20 = arith.constant 0 : i32
      %dma_wait3A_21 = tpu.memref_slice %arg4[%dma_wait3A_20, %mul3A_2] : memref<32x16384xf32, #tpu.memory_space<hbm>> -> memref<32x512xf32, #tpu.memory_space<hbm>>
      tpu.wait_dma2 semaphore(%run_scoped3A : memref<!tpu.dma_semaphore, #tpu.memory_space<semaphore_mem>>) src(%arg7 : memref<32x512xf32, #tpu.memory_space<vmem>>) dst(%dma_wait3A_21 : memref<32x512xf32, #tpu.memory_space<hbm>>)
      tpu.yield
    }) : () -> ()
    return
  }
}

</mosaic_0001>

<sc_bundles>
// kernel: kernel.3.cloned.1.call-start
scs
__scs_entry_jumppad:
0x0: {  	(pc) =	sbr.rel $0x88, $3  }
0x1: {  	(tag) =	ssettag $0x0;
	lr =	simm.s32 $0x1  }
0x2: {  	[smem:$0x3F9F] =	sst lr;
	_ =	strace $0xD0000000  }
0x3: {  	_ = 	snop  }
0x4: {  	_ = 	snop  }
0x5: {  	_ = 	snop  }
0x6: {  	_ = 	snop  }
0x7: {  	_ = 	snop  }
__scs_overlays_trampoline_lowered:
0x8: {  	[smem:$0x3FAE] =	sst s0  }
0x9: {  	[smem:$0x3FAF] =	sst s1  }
0xa: {  	[smem:$0x3FB0] =	sst s2  }
0xb: {  	[smem:$0x3FB1] =	sst s3  }
0xc: {  	[smem:$0x3FB2] =	sst s4  }
0xd: {  	[smem:$0x3FB3] =	sst s5  }
0xe: {  	[smem:$0x3FB4] =	sst s6  }
0xf: {  	[smem:$0x3FB5] =	sst s7  }
0x10: {  	[smem:$0x3FB6] =	sst s8  }
0x11: {  	[smem:$0x3FB7] =	sst s9;
	s0 =	simm.s32 @!p0 $0x0  }
0x12: {  	s1 =	sld [smem:$0x3F9D];
	s0 =	simm.s32 @p0 $0x1  }
0x13: {  	[smem:$0x3FB8] =	sst s0;
	s0 =	simm.s32 @!p1 $0x0  }
0x14: {  	s2 =	sld [smem:$0x3F9C];
	s0 =	simm.s32 @p1 $0x1  }
0x15: {  	[smem:$0x3FB9] =	sst s0;
	s0 =	simm.s32 @!p2 $0x0  }
0x16: {  	s3 =	sld [smem:$0x3FDB];
	s0 =	simm.s32 @p2 $0x1  }
0x17: {  	s4 =	simm.s32 $0x1BF5;
	[smem:$0x3FBB] =	sst s0  }
0x18: {  	s0 =	sld [smem:$0x3F9E];
	_ =	swait.ge [sflag:s4], $0x0  }
0x19: {  	s7 =	sld [smem:$0x3F9F]  }
0x1a: {  	s8 =	sadd.s32 $0xFFFFE003, lr  }
0x1b: {  	s9 =	sadd.s32 $0xFFFFFEF7, lr;
	s5 =	simm.s32 $0xFFFFFFFF;
	p2 =	slt.u32 s8, $0xFFFFF086  }
0x1c: {  	p1 =	slt.u32 s9, $0xF7A;
	s5 =	simm.s32 @!p2 $0x0  }
0x1d: {  	s5 =	simm.s32 @p1 $0x1;
	p0 =	seq.s32 s7, s2  }
0x1e: {  	s7 =	smul.u32 @!p0 $0xF7A, s2;
	p2 =	seq.s32 @!p0 s5, $0x0  }
0x1f: {  	s9 =	smul.u32 $0xF7A, s1;
	s8 =	simm.s32 @!p0 $0x1BF5;
	p2 =	por !p2, p0  }
0x20: {  	[sflag:s8] =	ssyncset.s32 @!p0 $0xFFFFF086;
	s6 =	sadd.s32 @!p0 s3, s7;
	s7 =	simm.s32 @!p0 $0x108  }
0x21: {  	s3 =	sadd.s32 s3, s9;
	s6 =	sadd.s32 @!p0 $0x88, s6;
	s7 =	simm.s32 @p2 $0x1082  }
0x22: {  	[simem:s7], [sflag:s8] =	dma.local @!p0 [hbm:s6], $0xF7A  }
0x23: {  	s9 =	sor.u32 $0xD0000000, s2;
	s6 =	simm.s32 $0x108;
	_ =	swait.ge @!p0 [sflag:s8], $0x0  }
0x24: {  	s3 =	sadd.s32 $0x88, s3;
	s6 =	simm.s32 @!p1 $0x1082;
	[sflag:s4] =	ssyncset.s32 $0xFFFFF086  }
0x25: {  	[simem:s6], [sflag:s4] =	dma.local [hbm:s3], $0xF7A  }
0x26: {  	[smem:$0x3F9F] =	sst s1;
	(tag) =	ssettag s2;
	_ =	strace s9  }
0x27: {  	s1 =	sld [smem:$0x3FAF]  }
0x28: {  	s2 =	sld [smem:$0x3FB0]  }
0x29: {  	s4 =	sld [smem:$0x3FB2]  }
0x2a: {  	p0 =	seq.s32 s5, $0x0;
	s5 =	sld [smem:$0x3FB3]  }
0x2b: {  	s6 =	sld [smem:$0x3FB4]  }
0x2c: {  	s7 =	sld [smem:$0x3FB5]  }
0x2d: {  	s3 =	simm.s32 $0x108;
	s8 =	sld [smem:$0x3FB6]  }
0x2e: {  	s3 =	simm.s32 @!p0 $0x1082;
	s9 =	sld [smem:$0x3FB7]  }
0x2f: {  	lr =	sadd.s32 s0, s3;
	s0 =	sld [smem:$0x3FAE]  }
0x30: {  	s3 =	sld [smem:$0x3FB1]  }
0x31: {  	[smem:$0x3FBA] =	sst s10  }
0x32: {  	s10 =	sld [smem:$0x3FB8];
	_ =	sdelay $0x3  }
0x33: {  	p0 =	seq.s32 s10, $0x1;
	s10 =	sld [smem:$0x3FBA];
	_ =	sdelay $0x3  }
0x34: {  	[smem:$0x3FBA] =	sst s10  }
0x35: {  	s10 =	sld [smem:$0x3FB9];
	_ =	sdelay $0x3  }
0x36: {  	p1 =	seq.s32 s10, $0x1;
	s10 =	sld [smem:$0x3FBA];
	_ =	sdelay $0x3  }
0x37: {  	[smem:$0x3FBA] =	sst s10  }
0x38: {  	s10 =	sld [smem:$0x3FBB]  }
0x39: {  	_ = 	snop;
	(pc) =	sbr.ind lr, $3  }
0x3a: {  	_ = 	snop  }
0x3b: {  	_ = 	snop  }
0x3c: {  	p2 =	seq.s32 s10, $0x1;
	s10 =	sld [smem:$0x3FBA]  }
0x3d: {  	_ =	shalt  }
0x3e: {  	_ =	shalt  }
0x3f: {  	_ =	shalt  }
0x40: {  	_ =	shalt  }
0x41: {  	_ =	shalt  }
0x42: {  	_ =	shalt  }
0x43: {  	_ =	shalt  }
0x44: {  	_ =	shalt  }
0x45: {  	_ =	shalt  }
0x46: {  	_ =	shalt  }
0x47: {  	_ =	shalt  }
0x48: {  	_ =	shalt  }
0x49: {  	_ =	shalt  }
0x4a: {  	_ =	shalt  }
0x4b: {  	_ =	shalt  }
0x4c: {  	_ =	shalt  }
0x4d: {  	_ =	shalt  }
0x4e: {  	_ =	shalt  }
0x4f: {  	_ =	shalt  }
0x50: {  	_ =	shalt  }
0x51: {  	_ =	shalt  }
0x52: {  	_ =	shalt  }
0x53: {  	_ =	shalt  }
0x54: {  	_ =	shalt  }
0x55: {  	_ =	shalt  }
0x56: {  	_ =	shalt  }
0x57: {  	_ =	shalt  }
0x58: {  	_ =	shalt  }
0x59: {  	_ =	shalt  }
0x5a: {  	_ =	shalt  }
0x5b: {  	_ =	shalt  }
0x5c: {  	_ =	shalt  }
0x5d: {  	_ =	shalt  }
0x5e: {  	_ =	shalt  }
0x5f: {  	_ =	shalt  }
0x60: {  	_ =	shalt  }
0x61: {  	_ =	shalt  }
0x62: {  	_ =	shalt  }
0x63: {  	_ =	shalt  }
0x64: {  	_ =	shalt  }
0x65: {  	_ =	shalt  }
0x66: {  	_ =	shalt  }
0x67: {  	_ =	shalt  }
0x68: {  	_ =	shalt  }
0x69: {  	_ =	shalt  }
0x6a: {  	_ =	shalt  }
0x6b: {  	_ =	shalt  }
0x6c: {  	_ =	shalt  }
0x6d: {  	_ =	shalt  }
0x6e: {  	_ =	shalt  }
0x6f: {  	_ =	shalt  }
0x70: {  	_ =	shalt  }
0x71: {  	_ =	shalt  }
0x72: {  	_ =	shalt  }
0x73: {  	_ =	shalt  }
0x74: {  	_ =	shalt  }
0x75: {  	_ =	shalt  }
0x76: {  	_ =	shalt  }
0x77: {  	_ =	shalt  }
0x78: {  	_ =	shalt  }
0x79: {  	_ =	shalt  }
0x7a: {  	_ =	shalt  }
0x7b: {  	_ =	shalt  }
0x7c: {  	_ =	shalt  }
0x7d: {  	_ =	shalt  }
0x7e: {  	_ =	shalt  }
0x7f: {  	_ =	shalt  }
0x80: {  	_ =	shalt  }
0x81: {  	_ =	shalt  }
0x82: {  	_ =	shalt  }
0x83: {  	_ =	shalt  }
0x84: {  	_ =	shalt  }
0x85: {  	_ =	shalt  }
0x86: {  	_ =	shalt  }
0x87: {  	_ =	shalt  }
.Lfunc_end0:
.L_simem_size_0:
called_computation_lowered:
.L_overlay_start_0:
0x88: {  	s2 =	sld [smem:$0x3FD9]  }
0x89: {  	s3 =	sld [smem:$0x3FFE];
	_ =	sdelay $0x1  }
0x8a: {  	s1 =	srdreg.scid  }
0x8b: {  	s0 =	sand.u32 $0x1, s1  }
0x8c: {  	s18 =	sshll.u32 s0, $0xA;
	s2 =	sadd.s32 s3, s2  }
0x8d: {  	s2 =	sadd.s32 s2, s18  }
0x8e: {  	[smem:$0x3FC6] =	sst s2  }
0x8f: {  	_ = 	snop  }
0x90: {  	s2 =	sld [smem:$0x3FC9]  }
0x91: {  	s19 =	sld [smem:$0x3FC8]  }
0x92: {  	s4 =	sld [smem:$0x3FD0];
	(tm) =	ssettm $0x1  }
0x93: {  	s5 =	sld [smem:$0x3FFB];
	_ =	sdelay $0x3  }
0x94: {  	_ =	strace s5  }
0x95: {  	s5 =	sld [smem:$0x3FFC];
	_ =	sdelay $0x3  }
0x96: {  	_ =	strace s5  }
0x97: {  	s5 =	sld [smem:$0x3FFD];
	_ =	sdelay $0x3  }
0x98: {  	_ =	strace s5  }
0x99: {  	_ =	strace $0x8FFFFFFF  }
0x9a: {  	s20 =	sld [smem:$0x3FDB];
	_ =	sdelay $0x1  }
0x9b: {  	s6 =	simm.s32 $_scs_section_size  }
0x9c: {  	s7 =	simm.s32 $_size__tile_overlayer_lowered;
	s8 =	simm.s32 $_tile_overlayer_lowered  }
0x9d: {  	s23 =	simm.s32 $0x1BFF;
	s22 =	sshll.u32 s8, $0x1;
	s5 =	sadd.s32 s6, s20  }
0x9e: {  	s9 =	simm.s32 $0x0;
	s21 =	sshll.u32 s7, $0x1;
	s7 =	sadd.s32 s22, s5  }
0x9f: {  	[timem:s9], [sflag:s23] =	dma.local [hbm:s7], s21  }
0xa0: {  	_ =	swait.ge [sflag:s23], s21  }
0xa1: {  	s6 =	ssub.s32 $0x0, s21;
	[sflag:s23] =	ssyncset.done $0x0  }
0xa2: {  	[sflag:s23] =	ssyncadd.s32 s6;
	_ =	sdelay $0x1  }
0xa3: {  	s24 =	simm.s32 $0x1B8B  }
0xa4: {  	_ =	swait.ge [sflag:s24], $0x1  }
0xa5: {  	[sflag:s24] =	ssyncset.done $0x0  }
0xa6: {  	s25 =	simm.s32 $0x1B8E;
	[sflag:s24] =	ssyncadd.s32 $0xFFFFFFFF  }
0xa7: {  	s26 =	simm.s32 $execute0_lowered;
	[smem:$0x3FD2] =	sst s25  }
0xa8: {  	s6 =	sshll.u32 s26, $0x1;
	_ =	strace $0x80000046;
	[dreg:$0x1] =	wrdreg $0xFFFFFFFF  }
0xa9: {  	s28 =	simm.s32 $_size_execute0_lowered;
	s5 =	sadd.s32 s5, s6;
	[dreg:$0x0] =	wrdreg $0x0  }
0xaa: {  	s6 =	sshll.u32 s28, $0x1;
	[dreg:$0x2] =	wrdreg s5  }
0xab: {  	[dreg:$0x3] =	wrdreg s6  }
0xac: {  	[dreg:$0x4] =	wrdreg $0xC0  }
0xad: {  	_ =	task [dreg:s9], $0x5FFFF  }
0xae: {  	[dreg:$0x1] =	wrdreg $0xFFFFFFFF  }
0xaf: {  	[dreg:$0x0] =	wrdreg $0x60  }
0xb0: {  	[dreg:$0x2] =	wrdreg s19  }
0xb1: {  	[dreg:$0x3] =	wrdreg s2  }
0xb2: {  	[dreg:$0x4] =	wrdreg s4  }
0xb3: {  	[dreg:$0x5] =	wrdreg $0x9  }
0xb4: {  	_ =	task.clear_ibuf [dreg:s9], $0x6FFFF;
	_ =	strace $0x90000046  }
0xb5: {  	s29 =	simm.s32 $0x9;
	_ =	strace $0x80000048  }
0xb6: {  	_ =	swait.ge [sflag:s29], $0x1  }
0xb7: {  	[sflag:s29] =	ssyncadd.s32 $0xFFFFFFFF  }
0xb8: {  	_ =	strace $0x90000048  }
0xb9: {  	_ =	sfence  }
0xba: {  	s30 =	sld [smem:$0x0];
	_ =	sdelay $0x2  }
0xbb: {  	s31 =	sshll.u32 s1, $0xD;
	s1 =	sshrl.u32 s1, $0x2  }
0xbc: {  	s3 =	sand.u32 $0x4000, s31;
	s1 =	sadd.s32 s1, s30  }
0xbd: {  	s0 =	sor.u32 s3, s0;
	s1 =	sshll.u32 s1, $0x11  }
0xbe: {  	s0 =	sor.u32 s1, s0  }
0xbf: {  	s0 =	sadd.s32 $0x8F2B, s0  }
0xc0: {  	[sflag:s0] =	ssyncadd.remote.s32 $0x1  }
0xc1: {  	_ =	sfence.sel $0xFFFF  }
0xc2: {  	[dreg:$0x0] =	wrdreg $0xFFFFFFFF;
	(pc) =	sbr.abs _section_cstart, $3  }
0xc3: {  	[dreg:$0x1] =	wrdreg $0xFFFFFFFF  }
0xc4: {  	_ =	task.clear_ibuf [dreg:s9], $0x2FFFF;
	_ =	strace $0x9FFFFFFF  }
0xc5: {  	(tm) =	ssettm $0x7FFFFFFF  }
tec
execute0_lowered:
.L_overlay_start_1:
0x0: {  	(tag) =	ssettag $0x1  }
0x1: {  	v1 =	vimm.s32 $0x1380;
	vm0 =	vcmask $0x300  }
0x2: {  	v2 =	vimm.s32 $0x3380;
	vm1 =	vcmask $0x704;
	vm15 =	vcmask $0xB08  }
0x3: {  	s0 =	rddreg [dreg:$0x0];
	vm4 =	vcmask $0xF0C;
	v1 =	vsel vm0, $0x0, v1;
	v2 =	vsel vm0, $0x2000, v2  }
0x4: {  	s1 =	rddreg [dreg:$0x1];
	vm5 =	vcmask $0x1310;
	v1 =	vsel vm1, $0x80, v1;
	v2 =	vsel vm1, $0x2080, v2  }
0x5: {  	s2 =	rddreg [dreg:$0x2];
	vm6 =	vcmask $0x1714;
	v1 =	vsel vm15, $0x100, v1;
	v2 =	vsel vm15, $0x2100, v2  }
0x6: {  	s3 =	srdreg.scid;
	s6 =	simm.s32 $0x0;
	s5 =	stileid.u32;
	vm7 =	vcmask $0x1B18;
	v1 =	vsel vm4, $0x180, v1;
	v2 =	vsel vm4, $0x2180, v2  }
0x7: {  	v0 =	vlaneseq.u32;
	s8 =	simm.s32 $0x400;
	s9 =	simm.s32 $0x7A1400;
	s18 =	simm.s32 $0x200;
	v1 =	vsel vm5, $0x200, v1;
	v2 =	vsel vm5, $0x2200, v2  }
0x8: {  	vm8 =	vcmask $0x1F1C;
	s19 =	simm.s32 $0x2200;
	s20 =	simm.s32 $0x4200;
	s21 =	simm.s32 $0x6200;
	v1 =	vsel vm6, $0x280, v1;
	v2 =	vsel vm6, $0x2280, v2  }
0x9: {  	vm9 =	vcmask $0x2320;
	s7 =	simm.s32 $0x7200;
	s24 =	simm.s32 $0xE200;
	s25 =	simm.s32 $0xF200;
	v1 =	vsel vm7, $0x300, v1;
	v2 =	vsel vm7, $0x2300, v2  }
0xa: {  	vm10 =	vcmask $0x2724;
	s26 =	simm.s32 $0x1;
	s28 =	simm.s32 $0x10200;
	s22 =	simm.s32 $0x7200;
	v1 =	vsel vm8, $0x380, v1;
	v2 =	vsel vm8, $0x2380, v2  }
0xb: {  	vm11 =	vcmask $0x2B28;
	s3 =	sand.u32 $0x1, s3;
	s5 =	sshll.u32 s5, $0xA;
	[smem:$0x7FF] =	sst s6;
	v1 =	vsel vm9, $0x1000, v1;
	v2 =	vsel vm9, $0x3000, v2  }
0xc: {  	vm12 =	vcmask $0x2F2C;
	s6 =	simm.s32 $0x5200;
	s4 =	ssub.s32 $0x2, s3;
	s3 =	sshll.u32 s3, $0x9;
	v1 =	vsel vm10, $0x1080, v1;
	v2 =	vsel vm10, $0x3080, v2  }
0xd: {  	vm13 =	vcmask $0x3330;
	_ =	strace $0x80000047;
	s29 =	sshrl.u32 s4, $0x1;
	s3 =	sor.u32 s3, s5;
	v1 =	vsel vm11, $0x1100, v1;
	v2 =	vsel vm11, $0x3100, v2  }
0xe: {  	vm14 =	vcmask $0x3734;
	s4 =	ssub.s32 s4, s29;
	s5 =	sshrl.u32 s3, $0x3;
	s30 =	sadd.s32 s2, s3;
	v1 =	vsel vm12, $0x1180, v1;
	v2 =	vsel vm12, $0x3180, v2  }
0xf: {  	v0 =	vmul.u32 $0x80, v0;
	s3 =	simm.s32 $0x2;
	s1 =	sadd.s32 s1, s5;
	[dreg:$0x5] =	wrdreg s30;
	v1 =	vsel vm13, $0x1200, v1;
	v2 =	vsel vm13, $0x3200, v2  }
0x10: {  	vm15 =	vcmask $0x3B38;
	s2 =	simm.s32 $0x0;
	s31 =	smax.u32 s4, $0x1;
	[dreg:$0x4] =	wrdreg s1;
	v1 =	vsel vm14, $0x1280, v1;
	v3 =	vsel vm14, $0x3280, v2  }
0x11: {  	s4 =	simm.s32 $0x1200;
	s5 =	simm.s32 $0x3200;
	[dreg:$0x6] =	wrdreg s31;
	v2 =	vor.u32 $0x800, v0;
	v1 =	vsel vm15, $0x1300, v1;
	v3 =	vsel vm15, $0x3300, v3  }
.LBB2_1:
0x12: {  	[dreg:$0x7] =	wrdreg s2  }
0x13: {  	s1 =	simm.s32 $0x0;
	s31 =	rddreg [dreg:$0x4]  }
0x14: {  	[tilespmem:s1], [sflag:$0x2] =	stream.linear.gather [hbm4b:s31+s1], $0x200, $0x38;
	[tilespmem:$0x14200] =	vst v63  }
0x15: {  	_ =	swait.ge [sflag:s3], $0x200  }
0x16: {  	[sflag:s3] =	ssyncset.done $0x0  }
0x17: {  	s2 =	simm.s32 $0x0;
	s1 =	simm.s32 $0xF;
	[sflag:s3] =	ssyncadd.s32 $0xFFFFFE00  }
.LBB2_2:
0x18: {  	v4 =	vld [tilespmem:s2+$0x0];
	_ =	sdelay $0x4  }
0x19: {  	(v2sf) =	vpush v4, $0x0;
	_ =	sdelay $0x1  }
0x1a: {  	(v2sf) =	vpush v4, $0x1;
	_ =	sdelay $0x2  }
0x1b: {  	(v2sf) =	vpush v4, $0x2;
	_ =	sdelay $0x1  }
0x1c: {  	(v2sf) =	vpush v4, $0x3;
	_ =	sdelay $0x1  }
0x1d: {  	(v2sf) =	vpush v4, $0x4;
	_ =	sdelay $0x1  }
0x1e: {  	(v2sf) =	vpush v4, $0x5;
	_ =	sdelay $0x3  }
0x1f: {  	s17 =	spop (v2sf);
	(v2sf) =	vpush v4, $0x6;
	_ =	sdelay $0x1  }
0x20: {  	s16 =	spop (v2sf);
	(v2sf) =	vpush v4, $0x7;
	_ =	sdelay $0x1  }
0x21: {  	s3 =	sand.u32 $0xFFFFF80, s17  }
0x22: {  	s3 =	sadd.s32 s0, s3;
	s23 =	sand.u32 $0xFFFFF80, s16;
	s15 =	spop (v2sf);
	(v2sf) =	vpush v4, $0x8  }
0x23: {  	[tilespmem:s18], [sflag:$0x1] =	stream.strided.gather [hbm4b:s3+s8], $0x1000, s9, s8, $0x38;
	[tilespmem:$0x14200] =	vst v63  }
0x24: {  	s3 =	sadd.s32 s0, s23;
	s29 =	sand.u32 $0xFFFFF80, s15;
	s14 =	spop (v2sf);
	(v2sf) =	vpush v4, $0x9  }
0x25: {  	[tilespmem:s4], [sflag:$0x1] =	stream.strided.gather [hbm4b:s3+s8], $0x1000, s9, s8, $0x38;
	[tilespmem:$0x14200] =	vst v63  }
0x26: {  	s30 =	sand.u32 $0xFFFFF80, s14;
	s13 =	spop (v2sf);
	(v2sf) =	vpush v4, $0xA;
	s3 =	sadd.s32 s0, s29  }
0x27: {  	[tilespmem:s19], [sflag:$0x1] =	stream.strided.gather [hbm4b:s3+s8], $0x1000, s9, s8, $0x38;
	[tilespmem:$0x14200] =	vst v63  }
0x28: {  	s31 =	sand.u32 $0xFFFFF80, s13;
	s12 =	spop (v2sf);
	s3 =	sadd.s32 s0, s30  }
0x29: {  	[tilespmem:s5], [sflag:$0x1] =	stream.strided.gather [hbm4b:s3+s8], $0x1000, s9, s8, $0x38;
	[tilespmem:$0x14200] =	vst v63  }
0x2a: {  	s4 =	sand.u32 $0xFFFFF80, s12;
	s3 =	sadd.s32 s0, s31  }
0x2b: {  	[tilespmem:s20], [sflag:$0x1] =	stream.strided.gather [hbm4b:s3+s8], $0x1000, s9, s8, $0x38;
	[tilespmem:$0x14200] =	vst v63  }
0x2c: {  	s3 =	sadd.s32 s0, s4;
	s11 =	spop (v2sf);
	(v2sf) =	vpush v4, $0xB  }
0x2d: {  	[tilespmem:s6], [sflag:$0x1] =	stream.strided.gather [hbm4b:s3+s8], $0x1000, s9, s8, $0x38;
	[tilespmem:$0x14200] =	vst v63  }
0x2e: {  	s6 =	sand.u32 $0xFFFFF80, s11;
	s10 =	spop (v2sf);
	(v2sf) =	vpush v4, $0xC  }
0x2f: {  	s3 =	sadd.s32 s0, s6;
	s20 =	sand.u32 $0xFFFFF80, s10  }
0x30: {  	[tilespmem:s21], [sflag:$0x1] =	stream.strided.gather [hbm4b:s3+s8], $0x1000, s9, s8, $0x38;
	[tilespmem:$0x14200] =	vst v63  }
0x31: {  	s31 =	spop (v2sf);
	(v2sf) =	vpush v4, $0xD;
	s3 =	sadd.s32 s0, s20  }
0x32: {  	[tilespmem:s7], [sflag:$0x1] =	stream.strided.gather [hbm4b:s3+s8], $0x1000, s9, s8, $0x38;
	[tilespmem:$0x14200] =	vst v63  }
0x33: {  	s7 =	spop (v2sf);
	(v2sf) =	vpush v4, $0xE  }
0x34: {  	s5 =	simm.s32 $0x8200;
	s21 =	sand.u32 $0xFFFFF80, s31  }
0x35: {  	s3 =	sadd.s32 s0, s21;
	s30 =	sand.u32 $0xFFFFF80, s7;
	s6 =	spop (v2sf)  }
0x36: {  	(v2sf) =	vpush v4, $0xF;
	[tilespmem:s5], [sflag:$0x1] =	stream.strided.gather [hbm4b:s3+s8], $0x1000, s9, s8, $0x38;
	[tilespmem:$0x14200] =	vst v63  }
0x37: {  	s18 =	simm.s32 $0x9200;
	s3 =	sadd.s32 s0, s30;
	s4 =	sand.u32 $0xFFFFF80, s6  }
0x38: {  	[tilespmem:s18], [sflag:$0x1] =	stream.strided.gather [hbm4b:s3+s8], $0x1000, s9, s8, $0x38;
	[tilespmem:$0x14200] =	vst v63  }
0x39: {  	s19 =	simm.s32 $0xA200;
	s3 =	sadd.s32 s0, s4  }
0x3a: {  	[tilespmem:s19], [sflag:$0x1] =	stream.strided.gather [hbm4b:s3+s8], $0x1000, s9, s8, $0x38;
	[tilespmem:$0x14200] =	vst v63  }
0x3b: {  	s5 =	spop (v2sf)  }
0x3c: {  	s18 =	sand.u32 $0xFFFFF80, s5  }
0x3d: {  	s29 =	simm.s32 $0xB200;
	s4 =	spop (v2sf);
	s3 =	sadd.s32 s0, s18  }
0x3e: {  	[tilespmem:s29], [sflag:$0x1] =	stream.strided.gather [hbm4b:s3+s8], $0x1000, s9, s8, $0x38;
	[tilespmem:$0x14200] =	vst v63  }
0x3f: {  	s29 =	sand.u32 $0xFFFFF80, s4  }
0x40: {  	s23 =	simm.s32 $0xC200;
	s30 =	spop (v2sf);
	s3 =	sadd.s32 s0, s29  }
0x41: {  	[tilespmem:s23], [sflag:$0x1] =	stream.strided.gather [hbm4b:s3+s8], $0x1000, s9, s8, $0x38;
	[tilespmem:$0x14200] =	vst v63  }
0x42: {  	s18 =	sand.u32 $0xFFFFF80, s30;
	s29 =	spop (v2sf)  }
0x43: {  	s23 =	simm.s32 $0xD200;
	s3 =	sadd.s32 s0, s18;
	s18 =	sand.u32 $0xFFFFF80, s29  }
0x44: {  	[tilespmem:s23], [sflag:$0x1] =	stream.strided.gather [hbm4b:s3+s8], $0x1000, s9, s8, $0x38;
	[tilespmem:$0x14200] =	vst v63  }
0x45: {  	s3 =	spop (v2sf);
	s18 =	sadd.s32 s0, s18  }
0x46: {  	[tilespmem:s24], [sflag:$0x1] =	stream.strided.gather [hbm4b:s18+s8], $0x1000, s9, s8, $0x38;
	[tilespmem:$0x14200] =	vst v63  }
0x47: {  	s18 =	sand.u32 $0xFFFFF80, s3  }
0x48: {  	s18 =	sadd.s32 s0, s18  }
0x49: {  	[tilespmem:s25], [sflag:$0x1] =	stream.strided.gather [hbm4b:s18+s8], $0x1000, s9, s8, $0x38;
	[tilespmem:$0x14200] =	vst v63  }
0x4a: {  	_ =	swait.ge [sflag:s26], $0x1000  }
0x4b: {  	[sflag:s26] =	ssyncset.done $0x0  }
0x4c: {  	[sflag:s26] =	ssyncadd.s32 $0xFFFFF000  }
0x4d: {  	_ =	swait.ge [sflag:s26], $0x1000  }
0x4e: {  	[sflag:s26] =	ssyncset.done $0x0  }
0x4f: {  	[sflag:s26] =	ssyncadd.s32 $0xFFFFF000  }
0x50: {  	_ =	swait.ge [sflag:s26], $0x1000  }
0x51: {  	[sflag:s26] =	ssyncset.done $0x0  }
0x52: {  	[sflag:s26] =	ssyncadd.s32 $0xFFFFF000  }
0x53: {  	_ =	swait.ge [sflag:s26], $0x1000  }
0x54: {  	[sflag:s26] =	ssyncset.done $0x0  }
0x55: {  	[sflag:s26] =	ssyncadd.s32 $0xFFFFF000  }
0x56: {  	_ =	swait.ge [sflag:s26], $0x1000  }
0x57: {  	[sflag:s26] =	ssyncset.done $0x0  }
0x58: {  	[sflag:s26] =	ssyncadd.s32 $0xFFFFF000  }
0x59: {  	_ =	swait.ge [sflag:s26], $0x1000  }
0x5a: {  	[sflag:s26] =	ssyncset.done $0x0  }
0x5b: {  	[sflag:s26] =	ssyncadd.s32 $0xFFFFF000  }
0x5c: {  	_ =	swait.ge [sflag:s26], $0x1000  }
0x5d: {  	[sflag:s26] =	ssyncset.done $0x0  }
0x5e: {  	[sflag:s26] =	ssyncadd.s32 $0xFFFFF000  }
0x5f: {  	_ =	swait.ge [sflag:s26], $0x1000  }
0x60: {  	[sflag:s26] =	ssyncset.done $0x0  }
0x61: {  	[sflag:s26] =	ssyncadd.s32 $0xFFFFF000  }
0x62: {  	_ =	swait.ge [sflag:s26], $0x1000  }
0x63: {  	[sflag:s26] =	ssyncset.done $0x0  }
0x64: {  	[sflag:s26] =	ssyncadd.s32 $0xFFFFF000  }
0x65: {  	_ =	swait.ge [sflag:s26], $0x1000  }
0x66: {  	[sflag:s26] =	ssyncset.done $0x0  }
0x67: {  	[sflag:s26] =	ssyncadd.s32 $0xFFFFF000  }
0x68: {  	_ =	swait.ge [sflag:s26], $0x1000  }
0x69: {  	[sflag:s26] =	ssyncset.done $0x0  }
0x6a: {  	[sflag:s26] =	ssyncadd.s32 $0xFFFFF000  }
0x6b: {  	_ =	swait.ge [sflag:s26], $0x1000  }
0x6c: {  	[sflag:s26] =	ssyncset.done $0x0  }
0x6d: {  	[sflag:s26] =	ssyncadd.s32 $0xFFFFF000  }
0x6e: {  	_ =	swait.ge [sflag:s26], $0x1000  }
0x6f: {  	[sflag:s26] =	ssyncset.done $0x0  }
0x70: {  	[sflag:s26] =	ssyncadd.s32 $0xFFFFF000  }
0x71: {  	_ =	swait.ge [sflag:s26], $0x1000  }
0x72: {  	[sflag:s26] =	ssyncset.done $0x0  }
0x73: {  	[sflag:s26] =	ssyncadd.s32 $0xFFFFF000  }
0x74: {  	s17 =	sand.u32 $0x7F, s17;
	_ =	swait.ge [sflag:s26], $0x1000  }
0x75: {  	v4 =	vor.u32 s17, v0;
	s18 =	sadd.s32 $0xFFFFFFF1, s1;
	[sflag:s26] =	ssyncset.done $0x0  }
0x76: {  	v5 =	vmov s18;
	[sflag:s26] =	ssyncadd.s32 $0xFFFFF000  }
0x77: {  	v6 =	vshll.u32 v5, $0x3;
	_ =	swait.ge [sflag:s26], $0x1000  }
0x78: {  	v5 =	vand.u32 $0x70, v5;
	v6 =	vand.u32 $0xC00, v6;
	[sflag:s26] =	ssyncset.done $0x0  }
0x79: {  	s18 =	simm.s32 $0x200;
	v5 =	vor.u32 v5, v6;
	[sflag:s26] =	ssyncadd.s32 $0xFFFFF000  }
0x7a: {  	v6 =	vor.u32 v1, v5;
	v4 =	vld.idx.msk [tilespmem:v4+s18+$0x0], $0xffff  }
0x7b: {  	v7 =	vor.u32 s17, v2;
	_ =	sdelay $0x3  }
0x7c: {  	[tilespmem:v6+s28+$0x0] =	vst.idx.msk $0xffff, v4  }
0x7d: {  	s16 =	sand.u32 $0x7F, s16;
	v5 =	vor.u32 v3, v5;
	v4 =	vld.idx.msk [tilespmem:v7+s18+$0x0], $0xffff  }
0x7e: {  	v42 =	vor.u32 s16, v0;
	s17 =	sadd.s32 $0xFFFFFFF2, s1  }
0x7f: {  	v43 =	vmov s17  }
0x80: {  	v8 =	vshll.u32 v43, $0x3  }
0x81: {  	v8 =	vand.u32 $0xC00, v8;
	v7 =	vand.u32 $0x71, v43  }
0x82: {  	s19 =	simm.s32 $0x1200;
	[tilespmem:v5+s28+$0x0] =	vst.idx.msk $0xffff, v4;
	v4 =	vor.u32 v7, v8  }
0x83: {  	v5 =	vld.idx.msk [tilespmem:v42+s19+$0x0], $0xffff;
	v44 =	vor.u32 v1, v4  }
0x84: {  	v45 =	vor.u32 s16, v2;
	_ =	sdelay $0x3  }
0x85: {  	[tilespmem:v44+s28+$0x0] =	vst.idx.msk $0xffff, v5  }
0x86: {  	s15 =	sand.u32 $0x7F, s15;
	v4 =	vor.u32 v3, v4;
	v5 =	vld.idx.msk [tilespmem:v45+s19+$0x0], $0xffff  }
0x87: {  	v46 =	vor.u32 s15, v0;
	s17 =	sadd.s32 $0xFFFFFFF3, s1  }
0x88: {  	v47 =	vmov s17  }
0x89: {  	v48 =	vshll.u32 v47, $0x3  }
0x8a: {  	v7 =	vand.u32 $0x72, v47;
	v8 =	vand.u32 $0xC00, v48  }
0x8b: {  	s19 =	simm.s32 $0x2200;
	[tilespmem:v4+s28+$0x0] =	vst.idx.msk $0xffff, v5;
	v4 =	vor.u32 v7, v8  }
0x8c: {  	v5 =	vld.idx.msk [tilespmem:v46+s19+$0x0], $0xffff;
	v49 =	vor.u32 v1, v4  }
0x8d: {  	v50 =	vor.u32 s15, v2;
	_ =	sdelay $0x3  }
0x8e: {  	[tilespmem:v49+s28+$0x0] =	vst.idx.msk $0xffff, v5  }
0x8f: {  	s14 =	sand.u32 $0x7F, s14;
	v4 =	vor.u32 v3, v4;
	v5 =	vld.idx.msk [tilespmem:v50+s19+$0x0], $0xffff  }
0x90: {  	v51 =	vor.u32 s14, v0;
	s17 =	sadd.s32 $0xFFFFFFF4, s1  }
0x91: {  	v52 =	vmov s17  }
0x92: {  	v53 =	vshll.u32 v52, $0x3  }
0x93: {  	v7 =	vand.u32 $0x73, v52;
	v8 =	vand.u32 $0xC00, v53  }
0x94: {  	s20 =	simm.s32 $0x3200;
	[tilespmem:v4+s28+$0x0] =	vst.idx.msk $0xffff, v5;
	v4 =	vor.u32 v7, v8  }
0x95: {  	v5 =	vld.idx.msk [tilespmem:v51+s20+$0x0], $0xffff;
	v54 =	vor.u32 v1, v4  }
0x96: {  	v55 =	vor.u32 s14, v2;
	_ =	sdelay $0x3  }
0x97: {  	[tilespmem:v54+s28+$0x0] =	vst.idx.msk $0xffff, v5  }
0x98: {  	s13 =	sand.u32 $0x7F, s13;
	v4 =	vor.u32 v3, v4;
	v5 =	vld.idx.msk [tilespmem:v55+s20+$0x0], $0xffff  }
0x99: {  	s15 =	sadd.s32 $0xFFFFFFF5, s1;
	v56 =	vor.u32 s13, v0  }
0x9a: {  	v57 =	vmov s15  }
0x9b: {  	v58 =	vshll.u32 v57, $0x3  }
0x9c: {  	v7 =	vand.u32 $0x74, v57;
	v8 =	vand.u32 $0xC00, v58  }
0x9d: {  	s20 =	simm.s32 $0x4200;
	[tilespmem:v4+s28+$0x0] =	vst.idx.msk $0xffff, v5;
	v4 =	vor.u32 v7, v8  }
0x9e: {  	v5 =	vld.idx.msk [tilespmem:v56+s20+$0x0], $0xffff;
	v59 =	vor.u32 v1, v4  }
0x9f: {  	v60 =	vor.u32 s13, v2;
	_ =	sdelay $0x3  }
0xa0: {  	[tilespmem:v59+s28+$0x0] =	vst.idx.msk $0xffff, v5  }
0xa1: {  	s12 =	sand.u32 $0x7F, s12;
	v4 =	vor.u32 v3, v4;
	v5 =	vld.idx.msk [tilespmem:v60+s20+$0x0], $0xffff  }
0xa2: {  	s16 =	sadd.s32 $0xFFFFFFF6, s1;
	v61 =	vor.u32 s12, v0  }
0xa3: {  	v62 =	vmov s16  }
0xa4: {  	v63 =	vshll.u32 v62, $0x3  }
0xa5: {  	v7 =	vand.u32 $0x75, v62;
	v8 =	vand.u32 $0xC00, v63  }
0xa6: {  	s21 =	simm.s32 $0x5200;
	[tilespmem:v4+s28+$0x0] =	vst.idx.msk $0xffff, v5;
	v4 =	vor.u32 v7, v8  }
0xa7: {  	v5 =	vld.idx.msk [tilespmem:v61+s21+$0x0], $0xffff;
	v12 =	vor.u32 v1, v4  }
0xa8: {  	v13 =	vor.u32 s12, v2;
	_ =	sdelay $0x3  }
0xa9: {  	[tilespmem:v12+s28+$0x0] =	vst.idx.msk $0xffff, v5  }
0xaa: {  	s11 =	sand.u32 $0x7F, s11;
	v4 =	vor.u32 v3, v4;
	v5 =	vld.idx.msk [tilespmem:v13+s21+$0x0], $0xffff  }
0xab: {  	v14 =	vor.u32 s11, v0;
	s17 =	sadd.s32 $0xFFFFFFF7, s1  }
0xac: {  	v15 =	vmov s17  }
0xad: {  	v16 =	vshll.u32 v15, $0x3  }
0xae: {  	v7 =	vand.u32 $0x76, v15;
	v8 =	vand.u32 $0xC00, v16  }
0xaf: {  	s21 =	simm.s32 $0x6200;
	[tilespmem:v4+s28+$0x0] =	vst.idx.msk $0xffff, v5;
	v4 =	vor.u32 v7, v8  }
0xb0: {  	v5 =	vld.idx.msk [tilespmem:v14+s21+$0x0], $0xffff;
	v17 =	vor.u32 v1, v4  }
0xb1: {  	v18 =	vor.u32 s11, v2;
	_ =	sdelay $0x3  }
0xb2: {  	[tilespmem:v17+s28+$0x0] =	vst.idx.msk $0xffff, v5  }
0xb3: {  	s10 =	sand.u32 $0x7F, s10;
	v4 =	vor.u32 v3, v4;
	v5 =	vld.idx.msk [tilespmem:v18+s21+$0x0], $0xffff  }
0xb4: {  	s12 =	sadd.s32 $0xFFFFFFF8, s1;
	v19 =	vor.u32 s10, v0  }
0xb5: {  	v20 =	vmov s12  }
0xb6: {  	v21 =	vshll.u32 v20, $0x3  }
0xb7: {  	v7 =	vand.u32 $0x77, v20;
	v8 =	vand.u32 $0xC00, v21  }
0xb8: {  	[tilespmem:v4+s28+$0x0] =	vst.idx.msk $0xffff, v5;
	v4 =	vor.u32 v7, v8  }
0xb9: {  	v5 =	vld.idx.msk [tilespmem:v19+s22+$0x0], $0xffff;
	v22 =	vor.u32 v1, v4  }
0xba: {  	v23 =	vor.u32 s10, v2;
	_ =	sdelay $0x3  }
0xbb: {  	[tilespmem:v22+s28+$0x0] =	vst.idx.msk $0xffff, v5  }
0xbc: {  	s13 =	sand.u32 $0x7F, s31;
	v4 =	vor.u32 v3, v4;
	v5 =	vld.idx.msk [tilespmem:v23+s22+$0x0], $0xffff  }
0xbd: {  	s14 =	sadd.s32 $0xFFFFFFF9, s1;
	v24 =	vor.u32 s13, v0  }
0xbe: {  	v25 =	vmov s14  }
0xbf: {  	v26 =	vshll.u32 v25, $0x3  }
0xc0: {  	v7 =	vand.u32 $0x78, v25;
	v8 =	vand.u32 $0xC00, v26  }
0xc1: {  	s15 =	simm.s32 $0x8200;
	[tilespmem:v4+s28+$0x0] =	vst.idx.msk $0xffff, v5;
	v4 =	vor.u32 v7, v8  }
0xc2: {  	v5 =	vld.idx.msk [tilespmem:v24+s15+$0x0], $0xffff;
	v27 =	vor.u32 v1, v4  }
0xc3: {  	v28 =	vor.u32 s13, v2;
	_ =	sdelay $0x3  }
0xc4: {  	[tilespmem:v27+s28+$0x0] =	vst.idx.msk $0xffff, v5  }
0xc5: {  	s7 =	sand.u32 $0x7F, s7;
	v4 =	vor.u32 v3, v4;
	v5 =	vld.idx.msk [tilespmem:v28+s15+$0x0], $0xffff  }
0xc6: {  	s16 =	sadd.s32 $0xFFFFFFFA, s1;
	v29 =	vor.u32 s7, v0  }
0xc7: {  	v30 =	vmov s16  }
0xc8: {  	v31 =	vshll.u32 v30, $0x3  }
0xc9: {  	v7 =	vand.u32 $0x79, v30;
	v8 =	vand.u32 $0xC00, v31  }
0xca: {  	s17 =	simm.s32 $0x9200;
	[tilespmem:v4+s28+$0x0] =	vst.idx.msk $0xffff, v5;
	v4 =	vor.u32 v7, v8  }
0xcb: {  	v5 =	vld.idx.msk [tilespmem:v29+s17+$0x0], $0xffff;
	v32 =	vor.u32 v1, v4  }
0xcc: {  	v33 =	vor.u32 s7, v2;
	_ =	sdelay $0x3  }
0xcd: {  	[tilespmem:v32+s28+$0x0] =	vst.idx.msk $0xffff, v5  }
0xce: {  	s6 =	sand.u32 $0x7F, s6;
	v4 =	vor.u32 v3, v4;
	v5 =	vld.idx.msk [tilespmem:v33+s17+$0x0], $0xffff  }
0xcf: {  	s11 =	sadd.s32 $0xFFFFFFFB, s1;
	v34 =	vor.u32 s6, v0  }
0xd0: {  	v35 =	vmov s11  }
0xd1: {  	v36 =	vshll.u32 v35, $0x3  }
0xd2: {  	v7 =	vand.u32 $0x7A, v35;
	v8 =	vand.u32 $0xC00, v36  }
0xd3: {  	s31 =	simm.s32 $0xA200;
	[tilespmem:v4+s28+$0x0] =	vst.idx.msk $0xffff, v5;
	v4 =	vor.u32 v7, v8  }
0xd4: {  	v5 =	vld.idx.msk [tilespmem:v34+s31+$0x0], $0xffff;
	v37 =	vor.u32 v1, v4  }
0xd5: {  	v38 =	vor.u32 s6, v2;
	_ =	sdelay $0x3  }
0xd6: {  	[tilespmem:v37+s28+$0x0] =	vst.idx.msk $0xffff, v5  }
0xd7: {  	s5 =	sand.u32 $0x7F, s5;
	v4 =	vor.u32 v3, v4;
	v5 =	vld.idx.msk [tilespmem:v38+s31+$0x0], $0xffff  }
0xd8: {  	s13 =	sadd.s32 $0xFFFFFFFC, s1;
	v39 =	vor.u32 s5, v0  }
0xd9: {  	v40 =	vmov s13  }
0xda: {  	v41 =	vshll.u32 v40, $0x3  }
0xdb: {  	v7 =	vand.u32 $0x7B, v40;
	v8 =	vand.u32 $0xC00, v41  }
0xdc: {  	s12 =	simm.s32 $0xB200;
	[tilespmem:v4+s28+$0x0] =	vst.idx.msk $0xffff, v5;
	v4 =	vor.u32 v7, v8  }
0xdd: {  	v5 =	vld.idx.msk [tilespmem:v39+s12+$0x0], $0xffff;
	v42 =	vor.u32 v1, v4  }
0xde: {  	v43 =	vor.u32 s5, v2;
	_ =	sdelay $0x3  }
0xdf: {  	[tilespmem:v42+s28+$0x0] =	vst.idx.msk $0xffff, v5  }
0xe0: {  	s4 =	sand.u32 $0x7F, s4;
	v4 =	vor.u32 v3, v4;
	v5 =	vld.idx.msk [tilespmem:v43+s12+$0x0], $0xffff  }
0xe1: {  	v44 =	vor.u32 s4, v0;
	s15 =	sadd.s32 $0xFFFFFFFD, s1  }
0xe2: {  	v45 =	vmov s15  }
0xe3: {  	v46 =	vshll.u32 v45, $0x3  }
0xe4: {  	v7 =	vand.u32 $0x7C, v45;
	v8 =	vand.u32 $0xC00, v46  }
0xe5: {  	s14 =	simm.s32 $0xC200;
	[tilespmem:v4+s28+$0x0] =	vst.idx.msk $0xffff, v5;
	v4 =	vor.u32 v7, v8  }
0xe6: {  	v5 =	vld.idx.msk [tilespmem:v44+s14+$0x0], $0xffff;
	v47 =	vor.u32 v1, v4  }
0xe7: {  	v48 =	vor.u32 s4, v2;
	_ =	sdelay $0x3  }
0xe8: {  	[tilespmem:v47+s28+$0x0] =	vst.idx.msk $0xffff, v5  }
0xe9: {  	s16 =	sand.u32 $0x7F, s30;
	v4 =	vor.u32 v3, v4;
	v5 =	vld.idx.msk [tilespmem:v48+s14+$0x0], $0xffff  }
0xea: {  	v49 =	vor.u32 s16, v0;
	s17 =	sadd.s32 $0xFFFFFFFE, s1  }
0xeb: {  	v50 =	vmov s17  }
0xec: {  	v51 =	vshll.u32 v50, $0x3  }
0xed: {  	v7 =	vand.u32 $0x7D, v50;
	v8 =	vand.u32 $0xC00, v51  }
0xee: {  	[tilespmem:v4+s28+$0x0] =	vst.idx.msk $0xffff, v5;
	v4 =	vor.u32 v7, v8  }
0xef: {  	v5 =	vld.idx.msk [tilespmem:v49+s23+$0x0], $0xffff;
	v52 =	vor.u32 v1, v4  }
0xf0: {  	v53 =	vor.u32 s16, v2;
	_ =	sdelay $0x3  }
0xf1: {  	[tilespmem:v52+s28+$0x0] =	vst.idx.msk $0xffff, v5  }
0xf2: {  	s30 =	sand.u32 $0x7F, s29;
	v4 =	vor.u32 v3, v4;
	v5 =	vld.idx.msk [tilespmem:v53+s23+$0x0], $0xffff  }
0xf3: {  	v54 =	vor.u32 s30, v0;
	s31 =	sadd.s32 $0xFFFFFFFF, s1  }
0xf4: {  	v55 =	vmov s31  }
0xf5: {  	v56 =	vshll.u32 v55, $0x3  }
0xf6: {  	v7 =	vand.u32 $0x7E, v55;
	v8 =	vand.u32 $0xC00, v56  }
0xf7: {  	[tilespmem:v4+s28+$0x0] =	vst.idx.msk $0xffff, v5;
	v4 =	vor.u32 v7, v8  }
0xf8: {  	v5 =	vld.idx.msk [tilespmem:v54+s24+$0x0], $0xffff;
	v57 =	vor.u32 v1, v4  }
0xf9: {  	v58 =	vor.u32 s30, v2;
	_ =	sdelay $0x3  }
0xfa: {  	[tilespmem:v57+s28+$0x0] =	vst.idx.msk $0xffff, v5  }
0xfb: {  	s3 =	sand.u32 $0x7F, s3;
	v4 =	vor.u32 v3, v4;
	v5 =	vld.idx.msk [tilespmem:v58+s24+$0x0], $0xffff  }
0xfc: {  	v59 =	vor.u32 s3, v0  }
0xfd: {  	v60 =	vmov s1  }
0xfe: {  	v61 =	vshll.u32 v60, $0x3  }
0xff: {  	v7 =	vand.u32 $0x7F, v60;
	v8 =	vand.u32 $0xC00, v61  }
0x100: {  	[tilespmem:v4+s28+$0x0] =	vst.idx.msk $0xffff, v5;
	v4 =	vor.u32 v7, v8  }
0x101: {  	v5 =	vld.idx.msk [tilespmem:v59+s25+$0x0], $0xffff;
	v62 =	vor.u32 v1, v4  }
0x102: {  	v63 =	vor.u32 s3, v2;
	_ =	sdelay $0x3  }
0x103: {  	[tilespmem:v62+s28+$0x0] =	vst.idx.msk $0xffff, v5  }
0x104: {  	p0 =	sne.s32 s1, $0x1FF;
	v4 =	vor.u32 v3, v4;
	v5 =	vld.idx.msk [tilespmem:v63+s25+$0x0], $0xffff  }
.Ltmp0:
0x105: {  	_ = 	snop;
	(pc) =	sbr.rel @p0 .LBB2_2-.Ltmp0, $3  }
0x106: {  	_ =	sdelay $0x1  }
0x107: {  	s2 =	sadd.s32 $0x10, s2;
	s7 =	simm.s32 $0x7200;
	s6 =	simm.s32 $0x5200  }
0x108: {  	s5 =	simm.s32 $0x3200;
	s4 =	simm.s32 $0x1200;
	s1 =	sadd.s32 $0x10, s1;
	[tilespmem:v4+s28+$0x0] =	vst.idx.msk $0xffff, v5  }
0x109: {  	s1 =	rddreg [dreg:$0x5];
	s2 =	simm.s32 $0x1000;
	s3 =	simm.s32 $0x20000  }
0x10a: {  	[hbm4b:s1+s2] =	stream.strided.scatter [tilespmem:s28], [sflag:$0x2], $0x4000, s3, s2, $0x38;
	[tilespmem:$0x14200] =	vst v63  }
0x10b: {  	s3 =	simm.s32 $0x2  }
0x10c: {  	_ =	swait.ge [sflag:s3], $0x4000  }
0x10d: {  	s30 =	rddreg [dreg:$0x7]  }
0x10e: {  	s31 =	rddreg [dreg:$0x6];
	s2 =	sadd.s32 $0x1, s30  }
0x10f: {  	p0 =	sne.s32 s2, s31  }
.Ltmp1:
0x110: {  	_ = 	snop;
	(pc) =	sbr.rel @p0 .LBB2_1-.Ltmp1, $3  }
0x111: {  	_ =	sdelay $0x1  }
0x112: {  	[sflag:s3] =	ssyncset.done $0x0  }
0x113: {  	[sflag:s3] =	ssyncadd.s32 $0xFFFFC000  }
0x114: {  	_ =	sfence.sel $0x180000  }
0x115: {  	[bflag:$0x0] =	sbarrier.arrive $0xFFFF  }
0x116: {  	_ =	strace $0x90000047  }
0x117: {  	s0 =	stileid.u32;
	[bflag:$0x2] =	sbarrier.arrive $0xFFFF  }
0x118: {  	p0 =	sne.s32 s0, $0x0;
	s0 =	rddreg [dreg:$0x3]  }
0x119: {  	s0 =	sadd.s32 @!p0 $0x100000, s0  }
0x11a: {  	[sflag:s0] =	ssyncadd.tile.s32 @!p0 $0x1;
	_ =	shalt  }
.Lfunc_end2:
_tile_overlayer_lowered:
.L_overlay_start_2:
0x11b: {  	(tag) =	ssettag $0x2  }
0x11c: {  	s0 =	rddreg [dreg:$0x0];
	s2 =	stileid.u32  }
0x11d: {  	s1 =	rddreg [dreg:$0x1];
	p0 =	sne.s32 s2, $0x0  }
0x11e: {  	s3 =	rddreg [dreg:$0x2];
	[bflag:$0x3] =	sbarrier.arrive $0xFFFF;
	s2 =	simm.s32 @!p0 $0x1C02  }
0x11f: {  	[timem:s3], [sflag:s2] =	dma.local @!p0 [hbm:s0], s1  }
0x120: {  	s0 =	simm.s32 @!p0 $0x2  }
0x121: {  	_ =	swait.ge @!p0 [sflag:s0], s1  }
0x122: {  	s1 =	ssub.s32 @!p0 $0x0, s1;
	[sflag:s0] =	ssyncset.done @!p0 $0x0  }
0x123: {  	[sflag:s0] =	ssyncadd.s32 @!p0 s1  }
0x124: {  	[bflag:$0x3] =	sbarrier.arrive $0xFFFF  }
0x125: {  	_ =	shalt  }

</sc_bundles>
